<compile_context>
chip_gen: v7x
topology: tpu7x:2x2x1
jax: 0.10.2.dev20260603
libtpu: 0.0.44.dev20260713+nightly
codegen_flags: <defaults>
</compile_context>

<pallas_src>
import functools

import jax
import jax.numpy as jnp
from jax import lax
from jax.experimental import pallas as pl
from jax.experimental.pallas import tpu as pltpu
from jax.experimental.pallas import tpu_sc as plsc

N = 10000
E = 320000
F = 128
G = 128
C = 10

NPAD = 10752
PADG = 255
EPAD = 327680
NW = 32
EPW = EPAD // NW
ECH = 128
NCH = EPW // ECH
HCH = NCH // 2
ROWS = NPAD // 16

MB = 512
RB = 256
JB = 256
PCH = 512


def _sc_scatter_add(x_pad, src2d, dst2d, zero_rows, interpret=False):
  mesh = plsc.VectorSubcoreMesh(core_axis_name="c", subcore_axis_name="s",
                                num_cores=2, num_subcores=16)

  @functools.partial(
      pl.kernel,
      out_type=(jax.ShapeDtypeStruct((NPAD, F), jnp.float32),
                jax.ShapeDtypeStruct((NPAD, F), jnp.float32)),
      mesh=mesh,
      scratch_types=[
          pltpu.VMEM((HCH, ECH), jnp.int32),
          pltpu.VMEM((HCH, ECH), jnp.int32),
          pltpu.VMEM((ECH, F), jnp.float32),
          pltpu.VMEM((ECH, F), jnp.float32),
          pltpu.VMEM_SHARED((NPAD, F), jnp.float32),
          pltpu.SemaphoreType.DMA,
          pltpu.SemaphoreType.DMA,
      ],
      interpret=interpret,
  )
  def k(x_hbm, src_hbm, dst_hbm, z_hbm, out_a, out_b, src_v, dst_v, rows0,
        rows1, acc_sh, sem0, sem1):
    c = lax.axis_index("c")
    s = lax.axis_index("s")
    wid = s * 2 + c
    pltpu.sync_copy(z_hbm, acc_sh.at[pl.ds(s * ROWS, ROWS)])
    plsc.subcore_barrier()

    for half in range(2):
      base = wid * NCH + half * HCH
      pltpu.sync_copy(src_hbm.at[pl.ds(base, HCH)], src_v)
      pltpu.sync_copy(dst_hbm.at[pl.ds(base, HCH)], dst_v)
      pltpu.async_copy(x_hbm.at[src_v.at[0]], rows0, sem0)

      def body(i, carry):
        pltpu.async_copy(x_hbm.at[src_v.at[i + 1]], rows1, sem1)
        pltpu.make_async_copy(x_hbm.at[src_v.at[i]], rows0, sem0).wait()
        pltpu.sync_copy(rows0, acc_sh.at[dst_v.at[i]], add=True)

        @pl.when(i + 2 < HCH)
        def _():
          pltpu.async_copy(x_hbm.at[src_v.at[i + 2]], rows0, sem0)

        pltpu.make_async_copy(x_hbm.at[src_v.at[i + 1]], rows1, sem1).wait()
        pltpu.sync_copy(rows1, acc_sh.at[dst_v.at[i + 1]], add=True)
        return carry

      lax.fori_loop(0, HCH // 2, lambda j, cc: body(2 * j, cc), 0)

    plsc.subcore_barrier()

    @pl.when(c == 0)
    def _():
      pltpu.sync_copy(acc_sh.at[pl.ds(s * ROWS, ROWS)],
                      out_a.at[pl.ds(s * ROWS, ROWS)])

    @pl.when(c == 1)
    def _():
      pltpu.sync_copy(acc_sh.at[pl.ds(s * ROWS, ROWS)],
                      out_b.at[pl.ds(s * ROWS, ROWS)])

  return k(x_pad, src2d, dst2d, zero_rows)


def _stats_body(batch_ref, n0_ref, start_ref, k1i_ref, k2i_ref, k1f_ref,
                k2f_ref):
  g = lax.broadcasted_iota(jnp.int32, (1, 256), 1)

  def body(i, carry):
    n0, st = carry
    blk = batch_ref[pl.ds(i * 256, 256), :]
    n0 = n0 + jnp.sum((blk == g).astype(jnp.int32), axis=0, keepdims=True)
    st = st + jnp.sum((blk < g).astype(jnp.int32), axis=0, keepdims=True)
    return n0, st

  z = jnp.zeros((1, 256), jnp.int32)
  n0, st = lax.fori_loop(0, NPAD // 256, body, (z, z))
  d1 = (4 * n0 + 4).astype(jnp.float32)
  k1f = jnp.floor(d1 * 0.2 + 0.001)
  k1i = k1f.astype(jnp.int32)
  d2 = (4 * k1i + 4).astype(jnp.float32)
  k2f = jnp.floor(d2 * 0.2 + 0.001)
  k2i = k2f.astype(jnp.int32)
  n0_ref[...] = n0
  start_ref[...] = st
  k1i_ref[...] = k1i
  k2i_ref[...] = k2i
  k1f_ref[...] = k1f
  k2f_ref[...] = k2f


def _stats(batch_col, interpret=False):
  o = jax.ShapeDtypeStruct((1, 256), jnp.int32)
  of = jax.ShapeDtypeStruct((1, 256), jnp.float32)
  return pl.pallas_call(
      _stats_body,
      out_shape=(o, o, o, o, of, of),
      interpret=interpret,
  )(batch_col)


def _layer_body(agg_a, agg_b, xin, sel, W_rel, b_rel, W_root, p_row, h_ref,
                score_ref):
  agg = (agg_a[...] + agg_b[...]) * sel[...]
  h = lax.dot_general(agg, W_rel[...], (((1,), (0,)), ((), ())),
                      preferred_element_type=jnp.float32, precision=lax.Precision.HIGHEST)
  h = h + lax.dot_general(xin[...], W_root[...], (((1,), (0,)), ((), ())),
                          preferred_element_type=jnp.float32, precision=lax.Precision.HIGHEST)
  h = jnp.maximum(h + b_rel[...], 0.0)
  p = p_row[...]
  pn = jnp.sqrt(jnp.sum(p * p)) + 1e-16
  t = lax.dot_general(h, p, (((1,), (1,)), ((), ())),
                      preferred_element_type=jnp.float32, precision=lax.Precision.HIGHEST)
  h_ref[...] = h
  score_ref[...] = jnp.tanh(t / pn)


def _layer(agg_a, agg_b, xin, sel_col, W_rel, b_rel, W_root, p_row,
           interpret=False):
  nblk = NPAD // MB
  blk = lambda i: (i, 0)
  full = lambda i: (0, 0)
  return pl.pallas_call(
      _layer_body,
      grid=(nblk,),
      in_specs=[
          pl.BlockSpec((MB, F), blk),
          pl.BlockSpec((MB, F), blk),
          pl.BlockSpec((MB, F), blk),
          pl.BlockSpec((MB, 1), blk),
          pl.BlockSpec((F, F), full),
          pl.BlockSpec((1, F), full),
          pl.BlockSpec((F, F), full),
          pl.BlockSpec((1, F), full),
      ],
      out_specs=[pl.BlockSpec((MB, F), blk), pl.BlockSpec((MB, 1), blk)],
      out_shape=(jax.ShapeDtypeStruct((NPAD, F), jnp.float32),
                 jax.ShapeDtypeStruct((NPAD, 1), jnp.float32)),
      interpret=interpret,
  )(agg_a, agg_b, xin, sel_col, W_rel, b_rel, W_root, p_row)


def _rank_body(batch_s, start_s, n0_s, batch_col, score_col, prev_col,
               selp_col, score_rows, batch_rows, prev_rows, selp_rows, kf_col,
               h_blk, sel_ref, y_ref):
  bi = pl.program_id(0)
  i0 = bi * RB
  g0 = batch_s[i0]
  gl = batch_s[i0 + RB - 1]
  jlo = start_s[g0]
  jhi = start_s[gl] + n0_s[gl]
  jb0 = jlo >> 8
  jb1 = (jhi + JB - 1) >> 8

  s_i = score_col[...]
  p_i = prev_col[...]
  b_i = batch_col[...]
  sl_i = selp_col[...]
  ii = i0 + lax.broadcasted_iota(jnp.int32, (RB, 1), 0)

  def jbody(jb, rank):
    s_j = score_rows[pl.ds(jb, 1), :]
    b_j = batch_rows[pl.ds(jb, 1), :]
    p_j = prev_rows[pl.ds(jb, 1), :]
    sl_j = selp_rows[pl.ds(jb, 1), :]
    jj = jb * JB + lax.broadcasted_iota(jnp.int32, (1, JB), 1)
    beats = (s_j > s_i) | ((s_j == s_i) &
                           ((p_j > p_i) | ((p_j == p_i) & (jj < ii))))
    cnt = (b_j == b_i) & (sl_j > 0.0) & beats
    return rank + jnp.sum(cnt.astype(jnp.int32), axis=1, keepdims=True)

  rank = lax.fori_loop(jb0, jb1, jbody, jnp.zeros((RB, 1), jnp.int32))
  gg = lax.broadcasted_iota(jnp.int32, (1, 256), 1)
  onehot = (b_i == gg).astype(jnp.float32)
  krow = lax.dot_general(onehot, kf_col[...], (((1,), (0,)), ((), ())),
                         preferred_element_type=jnp.float32, precision=lax.Precision.HIGHEST)
  sel = (sl_i > 0.0) & (rank.astype(jnp.float32) < krow)
  sel_ref[...] = sel.astype(jnp.float32)
  y_ref[...] = jnp.where(sel, s_i * h_blk[...], 0.0)


def _rank(batch_s, start_s, n0_s, batch_col, score_col, prev_col, selp_col,
          score_rows, batch_rows, prev_rows, selp_rows, kf_col, h,
          interpret=False):
  nblk = NPAD // RB
  blk = lambda i, *_: (i, 0)
  full = lambda i, *_: (0, 0)
  nrow = NPAD // JB
  grid_spec = pltpu.PrefetchScalarGridSpec(
      num_scalar_prefetch=3,
      grid=(nblk,),
      in_specs=[
          pl.BlockSpec((RB, 1), blk),
          pl.BlockSpec((RB, 1), blk),
          pl.BlockSpec((RB, 1), blk),
          pl.BlockSpec((RB, 1), blk),
          pl.BlockSpec((nrow, JB), full),
          pl.BlockSpec((nrow, JB), full),
          pl.BlockSpec((nrow, JB), full),
          pl.BlockSpec((nrow, JB), full),
          pl.BlockSpec((256, 1), full),
          pl.BlockSpec((RB, F), blk),
      ],
      out_specs=[pl.BlockSpec((RB, 1), blk), pl.BlockSpec((RB, F), blk)],
  )
  return pl.pallas_call(
      _rank_body,
      grid_spec=grid_spec,
      out_shape=(jax.ShapeDtypeStruct((NPAD, 1), jnp.float32),
                 jax.ShapeDtypeStruct((NPAD, F), jnp.float32)),
      interpret=interpret,
  )(batch_s, start_s, n0_s, batch_col, score_col, prev_col, selp_col,
    score_rows, batch_rows, prev_rows, selp_rows, kf_col, h)


def _pool_body(start_s, n0_s, k1_s, k2_s, y_ref, y2_ref, sel1_ref, sel2_ref,
               out_ref):
  ninf = jnp.float32(-jnp.inf)
  g = pl.program_id(0)
  st = start_s[g]
  n = n0_s[g]
  k1g = k1_s[g]
  k2g = k2_s[g]
  nch = (n + PCH - 1) >> 9

  def cbody(ci, acc):
    mx1, sm1, mx2, sm2 = acc
    off = st + ci * PCH
    yv = y_ref[pl.ds(off, PCH), :]
    y2v = y2_ref[pl.ds(off, PCH), :]
    s1v = sel1_ref[pl.ds(off, PCH), :]
    s2v = sel2_ref[pl.ds(off, PCH), :]
    rowid = ci * PCH + lax.broadcasted_iota(jnp.int32, (PCH, 1), 0)
    valid = rowid < n
    m1 = valid & (s1v > 0.0)
    m2 = valid & (s2v > 0.0)
    mx1 = jnp.maximum(mx1, jnp.max(jnp.where(m1, yv, ninf), axis=0,
                                   keepdims=True))
    sm1 = sm1 + jnp.sum(jnp.where(valid, yv, 0.0), axis=0, keepdims=True)
    mx2 = jnp.maximum(mx2, jnp.max(jnp.where(m2, y2v, ninf), axis=0,
                                   keepdims=True))
    sm2 = sm2 + jnp.sum(jnp.where(valid, y2v, 0.0), axis=0, keepdims=True)
    return mx1, sm1, mx2, sm2

  z = jnp.zeros((1, F), jnp.float32)
  mi = jnp.full((1, F), ninf)
  mx1, sm1, mx2, sm2 = lax.fori_loop(0, nch, cbody, (mi, z, mi, z))
  mx1 = jnp.where(k1g > 0, mx1, 0.0)
  mx2 = jnp.where(k2g > 0, mx2, 0.0)
  mn1 = sm1 / jnp.maximum(k1g, 1).astype(jnp.float32)
  mn2 = sm2 / jnp.maximum(k2g, 1).astype(jnp.float32)
  out_ref[...] = jnp.concatenate([mx1 + mx2, mn1 + mn2], axis=1).reshape(
      1, 1, 2 * F)


def _pool(start_s, n0_s, k1_s, k2_s, y, y2, sel1_col, sel2_col,
          interpret=False):
  full = lambda i, *_: (0, 0)
  grid_spec = pltpu.PrefetchScalarGridSpec(
      num_scalar_prefetch=4,
      grid=(G,),
      in_specs=[
          pl.BlockSpec((NPAD, F), full),
          pl.BlockSpec((NPAD, F), full),
          pl.BlockSpec((NPAD, 1), full),
          pl.BlockSpec((NPAD, 1), full),
      ],
      out_specs=pl.BlockSpec((1, 1, 2 * F), lambda i, *_: (i, 0, 0)),
  )
  return pl.pallas_call(
      _pool_body,
      grid_spec=grid_spec,
      out_shape=jax.ShapeDtypeStruct((G, 1, 2 * F), jnp.float32),
      interpret=interpret,
  )(start_s, n0_s, k1_s, k2_s, y, y2, sel1_col, sel2_col)


def _head_body(zz_ref, Wl1, bl1, Wl2, bl2, out_ref):
  zz = zz_ref[...]
  z1 = lax.dot_general(zz, Wl1[...], (((1,), (0,)), ((), ())),
                       preferred_element_type=jnp.float32, precision=lax.Precision.HIGHEST)
  z1 = jnp.maximum(z1 + bl1[...], 0.0)
  z2 = lax.dot_general(z1, Wl2[...], (((1,), (0,)), ((), ())),
                       preferred_element_type=jnp.float32, precision=lax.Precision.HIGHEST)
  z2 = z2 + bl2[...]
  m = jnp.max(z2, axis=1, keepdims=True)
  e = jnp.exp(z2 - m)
  out_ref[...] = (z2 - m) - jnp.log(jnp.sum(e, axis=1, keepdims=True))


def _head(zz, Wl1, bl1, Wl2, bl2, interpret=False):
  return pl.pallas_call(
      _head_body,
      out_shape=jax.ShapeDtypeStruct((G, C), jnp.float32),
      interpret=interpret,
  )(zz, Wl1, bl1, Wl2, bl2)


def kernel(x, edge_index, batch, W_rel1, b_rel1, W_root1, p1, W_rel2, b_rel2,
           W_root2, p2, W_l1, b_l1, W_l2, b_l2):
  f32 = jnp.float32
  i32 = jnp.int32

  x_pad = jnp.zeros((NPAD, F), f32).at[:N].set(x)
  src2d = jnp.full((EPAD,), N, i32).at[:E].set(edge_index[0]).reshape(
      EPAD // ECH, ECH)
  dst2d = jnp.full((EPAD,), N, i32).at[:E].set(edge_index[1]).reshape(
      EPAD // ECH, ECH)
  batch_pad = jnp.full((NPAD,), PADG, i32).at[:N].set(batch)
  batch_col = batch_pad.reshape(NPAD, 1)
  batch_rows = batch_pad.reshape(NPAD // JB, JB)
  zero_rows = jnp.zeros((ROWS, F), f32)
  ones_col = jnp.ones((NPAD, 1), f32)
  zeros_col = jnp.zeros((NPAD, 1), f32)
  ones_rows = jnp.ones((NPAD // JB, JB), f32)
  zeros_jrows = jnp.zeros((NPAD // JB, JB), f32)

  n0_i, start_i, k1_i, k2_i, k1_f, k2_f = _stats(batch_col)
  n0_s = n0_i.reshape(256)
  start_s = start_i.reshape(256)
  k1_s = k1_i.reshape(256)
  k2_s = k2_i.reshape(256)
  k1_col = k1_f.reshape(256, 1)
  k2_col = k2_f.reshape(256, 1)

  agg1a, agg1b = _sc_scatter_add(x_pad, src2d, dst2d, zero_rows)
  h, score1_col = _layer(agg1a, agg1b, x_pad, ones_col, W_rel1,
                         b_rel1.reshape(1, F), W_root1, p1.reshape(1, F))
  score1_rows = score1_col.reshape(NPAD // JB, JB)
  sel1_col, y = _rank(batch_pad, start_s, n0_s, batch_col, score1_col,
                      zeros_col, ones_col, score1_rows, batch_rows,
                      zeros_jrows, ones_rows, k1_col, h)
  sel1_rows = sel1_col.reshape(NPAD // JB, JB)

  agg2a, agg2b = _sc_scatter_add(y, src2d, dst2d, zero_rows)
  h2, score2_col = _layer(agg2a, agg2b, y, sel1_col, W_rel2,
                          b_rel2.reshape(1, F), W_root2, p2.reshape(1, F))
  score2_rows = score2_col.reshape(NPAD // JB, JB)
  sel2_col, y2 = _rank(batch_pad, start_s, n0_s, batch_col, score2_col,
                       score1_col, sel1_col, score2_rows, batch_rows,
                       score1_rows, sel1_rows, k2_col, h2)

  zz = _pool(start_s, n0_s, k1_s, k2_s, y, y2, sel1_col, sel2_col)
  return _head(zz.reshape(G, 2 * F), W_l1, b_l1.reshape(1, F), W_l2,
               b_l2.reshape(1, C))

# --- scband reference (transcript-rebuilt; emitter-appended) ---
"""Pipeline reference for scband-net-16793322127774 (READ-ONLY COPY).

The authoritative reference and input builder live on the scoring server;
editing this copy changes nothing except your own understanding.
"""

import jax, jax.numpy as jnp
import numpy as np

N = 10000
E = 320000
FIN = 128
HID = 128
G = 128
C = 10
RATIO = 0.8


def setup_inputs(seed: int = 0):
    key = jax.random.key(seed)
    ks = jax.random.split(key, 20)
    s = 0.05
    inp = {}
    inp["x"] = jax.random.normal(ks[0], (N, FIN), jnp.float32)
    inp["edge_index"] = jax.random.randint(ks[1], (2, E), 0, N, dtype=jnp.int32)
    inp["batch"] = jnp.sort(jax.random.randint(ks[2], (N,), 0, G, dtype=jnp.int32))
    inp["W_rel1"] = jax.random.normal(ks[3], (FIN, HID), jnp.float32) * s
    inp["b_rel1"] = jnp.zeros((HID,), jnp.float32)
    inp["W_root1"] = jax.random.normal(ks[4], (FIN, HID), jnp.float32) * s
    inp["p1"] = jax.random.normal(ks[5], (HID,), jnp.float32) * s
    inp["W_rel2"] = jax.random.normal(ks[6], (HID, HID), jnp.float32) * s
    inp["b_rel2"] = jnp.zeros((HID,), jnp.float32)
    inp["W_root2"] = jax.random.normal(ks[7], (HID, HID), jnp.float32) * s
    inp["p2"] = jax.random.normal(ks[8], (HID,), jnp.float32) * s
    inp["W_l1"] = jax.random.normal(ks[9], (2 * HID, HID), jnp.float32) * s
    inp["b_l1"] = jnp.zeros((HID,), jnp.float32)
    inp["W_l2"] = jax.random.normal(ks[10], (HID, C), jnp.float32) * s
    inp["b_l2"] = jnp.zeros((C,), jnp.float32)
    return inp


def _graph_conv(x, src, dst, ew, W_rel, b_rel, W_root, num_nodes):
    # PyG GraphConv: out = lin_rel(sum_j ew_ij * x_j) + lin_root(x)
    msg = x[src]
    if ew is not None:
        msg = msg * ew[:, None]
    agg = jax.ops.segment_sum(msg, dst, num_segments=num_nodes)
    return agg @ W_rel + b_rel + x @ W_root


def _topk_order(score, batch):
    # per-graph score-descending order (stable: ties -> lower index first)
    return jnp.lexsort((-score, batch))


def _gmax(x, seg, counts, mask):
    m = jax.ops.segment_max(jnp.where(mask[:, None], x, -jnp.inf), seg, num_segments=G)
    return jnp.where((counts > 0)[:, None], m, 0.0)


def _gmean(x, seg, counts):
    s = jax.ops.segment_sum(x, seg, num_segments=G)
    return s / jnp.maximum(counts, 1).astype(jnp.float32)[:, None]


def _statics(batch):
    n0 = jnp.bincount(batch, length=G).astype(jnp.int32)
    start = (jnp.cumsum(n0) - n0).astype(jnp.int32)
    k1 = (4 * n0 + 4) // 5
    k2 = (4 * k1 + 4) // 5
    return (n0, start, k1, k2)


def _forward(x, W_rel1, b_rel1, W_root1, p1, W_rel2, b_rel2, W_root2, p2, W_l1, b_l1, W_l2, b_l2, src, dst, batch, statics):
    n0, start, k1, k2 = statics
    pos = jnp.arange(N, dtype=jnp.int32)
    rank = pos - start[batch]
    h = jax.nn.relu(_graph_conv(x, src, dst, None, W_rel1, b_rel1, W_root1, N))
    score1 = jnp.tanh((h @ p1) / (jnp.linalg.norm(p1) + 1e-16))
    order1 = _topk_order(score1, batch)
    sel1 = rank < k1[batch]
    xp1 = jnp.where(sel1[:, None], h[order1] * score1[order1][:, None], 0.0)
    # filter_adj emulated with static edge count: unselected endpoints -> weight 0
    sel1f = jnp.zeros((N,), jnp.float32).at[order1].set(sel1.astype(jnp.float32))
    inv1 = jnp.zeros((N,), jnp.int32).at[order1].set(pos)
    src1 = inv1[src]
    dst1 = inv1[dst]
    ew1 = sel1f[src] * sel1f[dst]
    x1 = jnp.concatenate([_gmax(xp1, batch, k1, sel1), _gmean(xp1, batch, k1)], axis=1)
    h2 = jax.nn.relu(_graph_conv(xp1, src1, dst1, ew1, W_rel2, b_rel2, W_root2, N))
    score2 = jnp.tanh((h2 @ p2) / (jnp.linalg.norm(p2) + 1e-16))
    order2 = _topk_order(jnp.where(sel1, score2, -jnp.inf), batch)
    sel2 = rank < k2[batch]
    xp2 = jnp.where(sel2[:, None], h2[order2] * score2[order2][:, None], 0.0)
    x2 = jnp.concatenate([_gmax(xp2, batch, k2, sel2), _gmean(xp2, batch, k2)], axis=1)
    z = x1 + x2
    z = jax.nn.relu(z @ W_l1 + b_l1)
    # F.dropout with training=False -> identity
    return jax.nn.log_softmax(z @ W_l2 + b_l2, axis=-1)


def reference(x, edge_index, batch, W_rel1, b_rel1, W_root1, p1, W_rel2, b_rel2, W_root2, p2, W_l1, b_l1, W_l2, b_l2):
    statics = _statics(batch)
    src = edge_index[0]
    dst = edge_index[1]
    return _forward(x, W_rel1, b_rel1, W_root1, p1, W_rel2, b_rel2, W_root2, p2, W_l1, b_l1, W_l2, b_l2, src, dst, batch, statics)

if __name__ == "__main__":
    import jax
    _d = setup_inputs()
    print(jax.jit(kernel)(*tuple(_d.values())))

</pallas_src>

<mosaic_0001>
#map = affine_map<(d0, d1) -> (0, 0)>
module attributes {stable_mosaic.version = 14 : i64} {
  func.func @k(%arg0: i32, %arg1: i32, %arg2: memref<10752x128xf32, #tpu.memory_space<hbm>>, %arg3: memref<2560x128xi32, #tpu.memory_space<hbm>>, %arg4: memref<2560x128xi32, #tpu.memory_space<hbm>>, %arg5: memref<672x128xf32, #tpu.memory_space<hbm>>, %arg6: memref<10752x128xf32, #tpu.memory_space<hbm>>, %arg7: memref<10752x128xf32, #tpu.memory_space<hbm>>, %arg8: memref<40x128xi32, #tpu.memory_space<vmem>>, %arg9: memref<40x128xi32, #tpu.memory_space<vmem>>, %arg10: memref<128x128xf32, #tpu.memory_space<vmem>>, %arg11: memref<128x128xf32, #tpu.memory_space<vmem>>, %arg12: memref<10752x128xf32, #tpu.memory_space<vmem_shared>>, %arg13: memref<!tpu.dma_semaphore, #tpu.memory_space<semaphore_mem>>, %arg14: memref<!tpu.dma_semaphore, #tpu.memory_space<semaphore_mem>>) attributes {dimension_semantics = [#tpu.dimension_semantics<core_parallel>, #tpu.dimension_semantics<subcore_parallel>], iteration_bounds = array<i64: 2, 16>, scalar_prefetch = 0 : i64, scratch_operands = 7 : i64, tpu.core_type = #tpu.core_type<sc_vector_subcore>, window_params = [{transform_indices = #map}, {transform_indices = #map}, {transform_indices = #map}, {transform_indices = #map}, {transform_indices = #map}, {transform_indices = #map}]} {
    %mul3A = arith.constant 2 : i32
    %mul3A_0 = arith.muli %arg1, %mul3A : i32
    %add3A = arith.addi %mul3A_0, %arg0 : i32
    %mul3A_1 = arith.constant 672 : i32
    %mul3A_2 = arith.muli %arg1, %mul3A_1 : i32
    "tpu.region"() ({
      %run_scoped3A = tpu.sem_alloc : memref<!tpu.dma_semaphore, #tpu.memory_space<semaphore_mem>>
      %dma_start3A_43 = arith.constant 0 : i32
      %dma_start3A_44 = tpu.memref_slice %arg12[%mul3A_2, %dma_start3A_43] : memref<10752x128xf32, #tpu.memory_space<vmem_shared>> -> memref<672x128xf32, #tpu.memory_space<vmem_shared>>
      tpu.enqueue_dma source(%arg5 : memref<672x128xf32, #tpu.memory_space<hbm>>) target(%dma_start3A_44 : memref<672x128xf32, #tpu.memory_space<vmem_shared>>) target_semaphore(%run_scoped3A : memref<!tpu.dma_semaphore, #tpu.memory_space<semaphore_mem>>)
      %dma_wait3A = arith.constant 0 : i32
      %dma_wait3A_45 = tpu.memref_slice %arg12[%mul3A_2, %dma_wait3A] : memref<10752x128xf32, #tpu.memory_space<vmem_shared>> -> memref<672x128xf32, #tpu.memory_space<vmem_shared>>
      tpu.wait_dma2 semaphore(%run_scoped3A : memref<!tpu.dma_semaphore, #tpu.memory_space<semaphore_mem>>) src(%arg5 : memref<672x128xf32, #tpu.memory_space<hbm>>) dst(%dma_wait3A_45 : memref<672x128xf32, #tpu.memory_space<vmem_shared>>)
      tpu.yield
    }) : () -> ()
    %barrier3A = arith.constant 0 : index
    tpu.barrier barrier_id(%barrier3A)
    %mul3A_3 = arith.constant 80 : i32
    %mul3A_4 = arith.muli %add3A, %mul3A_3 : i32
    %add3A_5 = arith.constant 0 : i32
    %add3A_6 = arith.addi %mul3A_4, %add3A_5 : i32
    "tpu.region"() ({
      %run_scoped3A = tpu.sem_alloc : memref<!tpu.dma_semaphore, #tpu.memory_space<semaphore_mem>>
      %dma_start3A_43 = arith.constant 0 : i32
      %dma_start3A_44 = tpu.memref_slice %arg3[%add3A_6, %dma_start3A_43] : memref<2560x128xi32, #tpu.memory_space<hbm>> -> memref<40x128xi32, #tpu.memory_space<hbm>>
      %dma_start3A_45 = arith.constant 0 : i32
      %dma_start3A_46 = tpu.memref_slice %arg3[%add3A_6, %dma_start3A_45] : memref<2560x128xi32, #tpu.memory_space<hbm>> -> memref<40x128xi32, #tpu.memory_space<hbm>>
      tpu.enqueue_dma source(%dma_start3A_46 : memref<40x128xi32, #tpu.memory_space<hbm>>) target(%arg8 : memref<40x128xi32, #tpu.memory_space<vmem>>) target_semaphore(%run_scoped3A : memref<!tpu.dma_semaphore, #tpu.memory_space<semaphore_mem>>)
      %dma_wait3A = arith.constant 0 : i32
      %dma_wait3A_47 = tpu.memref_slice %arg3[%add3A_6, %dma_wait3A] : memref<2560x128xi32, #tpu.memory_space<hbm>> -> memref<40x128xi32, #tpu.memory_space<hbm>>
      %dma_wait3A_48 = arith.constant 0 : i32
      %dma_wait3A_49 = tpu.memref_slice %arg3[%add3A_6, %dma_wait3A_48] : memref<2560x128xi32, #tpu.memory_space<hbm>> -> memref<40x128xi32, #tpu.memory_space<hbm>>
      tpu.wait_dma2 semaphore(%run_scoped3A : memref<!tpu.dma_semaphore, #tpu.memory_space<semaphore_mem>>) src(%dma_wait3A_49 : memref<40x128xi32, #tpu.memory_space<hbm>>) dst(%arg8 : memref<40x128xi32, #tpu.memory_space<vmem>>)
      tpu.yield
    }) : () -> ()
    "tpu.region"() ({
      %run_scoped3A = tpu.sem_alloc : memref<!tpu.dma_semaphore, #tpu.memory_space<semaphore_mem>>
      %dma_start3A_43 = arith.constant 0 : i32
      %dma_start3A_44 = tpu.memref_slice %arg4[%add3A_6, %dma_start3A_43] : memref<2560x128xi32, #tpu.memory_space<hbm>> -> memref<40x128xi32, #tpu.memory_space<hbm>>
      %dma_start3A_45 = arith.constant 0 : i32
      %dma_start3A_46 = tpu.memref_slice %arg4[%add3A_6, %dma_start3A_45] : memref<2560x128xi32, #tpu.memory_space<hbm>> -> memref<40x128xi32, #tpu.memory_space<hbm>>
      tpu.enqueue_dma source(%dma_start3A_46 : memref<40x128xi32, #tpu.memory_space<hbm>>) target(%arg9 : memref<40x128xi32, #tpu.memory_space<vmem>>) target_semaphore(%run_scoped3A : memref<!tpu.dma_semaphore, #tpu.memory_space<semaphore_mem>>)
      %dma_wait3A = arith.constant 0 : i32
      %dma_wait3A_47 = tpu.memref_slice %arg4[%add3A_6, %dma_wait3A] : memref<2560x128xi32, #tpu.memory_space<hbm>> -> memref<40x128xi32, #tpu.memory_space<hbm>>
      %dma_wait3A_48 = arith.constant 0 : i32
      %dma_wait3A_49 = tpu.memref_slice %arg4[%add3A_6, %dma_wait3A_48] : memref<2560x128xi32, #tpu.memory_space<hbm>> -> memref<40x128xi32, #tpu.memory_space<hbm>>
      tpu.wait_dma2 semaphore(%run_scoped3A : memref<!tpu.dma_semaphore, #tpu.memory_space<semaphore_mem>>) src(%dma_wait3A_49 : memref<40x128xi32, #tpu.memory_space<hbm>>) dst(%arg9 : memref<40x128xi32, #tpu.memory_space<vmem>>)
      tpu.yield
    }) : () -> ()
    %dma_start3A = arith.constant 0 : i32
    %dma_start3A_7 = arith.constant 0 : i32
    %dma_start3A_8 = tpu.memref_slice %arg8[%dma_start3A, %dma_start3A_7] : memref<40x128xi32, #tpu.memory_space<vmem>> -> memref<1x128xi32, #tpu.memory_space<vmem>>
    %dma_start3A_9 = tpu.memref_squeeze %dma_start3A_8 : memref<1x128xi32, #tpu.memory_space<vmem>> -> memref<128xi32, #tpu.memory_space<vmem>>
    %dma_start3A_10 = arith.constant 0 : i32
    %dma_start3A_11 = arith.constant 0 : i32
    %dma_start3A_12 = tpu.memref_slice %arg2[%dma_start3A_10, %dma_start3A_11] : memref<10752x128xf32, #tpu.memory_space<hbm>> -> memref<10752x128xf32, #tpu.memory_space<hbm>>
    tpu.enqueue_indirect_dma source(%dma_start3A_12 : memref<10752x128xf32, #tpu.memory_space<hbm>>) target(%arg10 : memref<128x128xf32, #tpu.memory_space<vmem>>) offsets(%dma_start3A_9 : memref<128xi32, #tpu.memory_space<vmem>>) semaphore(%arg13 : memref<!tpu.dma_semaphore, #tpu.memory_space<semaphore_mem>>)
    %scan3A = arith.constant 0 : i32
    %scan3A_13 = arith.constant 0 : i32
    %scan3A_14 = arith.constant 20 : i32
    %scan3A_15 = arith.addi %scan3A_13, %scan3A_14 : i32
    %scan3A_16 = arith.constant 1 : i32
    scf.for %scan3A_43 = %scan3A_13 to %scan3A_15 step %scan3A_16  : i32 {
      %mul3A_44 = arith.constant 2 : i32
      %mul3A_45 = arith.muli %mul3A_44, %scan3A_43 : i32
      %add3A_46 = arith.constant 1 : i32
      %add3A_47 = arith.addi %mul3A_45, %add3A_46 : i32
      %dma_start3A_48 = arith.constant 0 : i32
      %dma_start3A_49 = tpu.memref_slice %arg8[%add3A_47, %dma_start3A_48] : memref<40x128xi32, #tpu.memory_space<vmem>> -> memref<1x128xi32, #tpu.memory_space<vmem>>
      %dma_start3A_50 = tpu.memref_squeeze %dma_start3A_49 : memref<1x128xi32, #tpu.memory_space<vmem>> -> memref<128xi32, #tpu.memory_space<vmem>>
      %dma_start3A_51 = arith.constant 0 : i32
      %dma_start3A_52 = arith.constant 0 : i32
      %dma_start3A_53 = tpu.memref_slice %arg2[%dma_start3A_51, %dma_start3A_52] : memref<10752x128xf32, #tpu.memory_space<hbm>> -> memref<10752x128xf32, #tpu.memory_space<hbm>>
      tpu.enqueue_indirect_dma source(%dma_start3A_53 : memref<10752x128xf32, #tpu.memory_space<hbm>>) target(%arg11 : memref<128x128xf32, #tpu.memory_space<vmem>>) offsets(%dma_start3A_50 : memref<128xi32, #tpu.memory_space<vmem>>) semaphore(%arg14 : memref<!tpu.dma_semaphore, #tpu.memory_space<semaphore_mem>>)
      %dma_wait3A = arith.constant 0 : i32
      %dma_wait3A_54 = tpu.memref_slice %arg8[%mul3A_45, %dma_wait3A] : memref<40x128xi32, #tpu.memory_space<vmem>> -> memref<1x128xi32, #tpu.memory_space<vmem>>
      %dma_wait3A_55 = tpu.memref_squeeze %dma_wait3A_54 : memref<1x128xi32, #tpu.memory_space<vmem>> -> memref<128xi32, #tpu.memory_space<vmem>>
      %dma_wait3A_56 = arith.constant 0 : i32
      %dma_wait3A_57 = arith.constant 0 : i32
      %dma_wait3A_58 = tpu.memref_slice %arg2[%dma_wait3A_56, %dma_wait3A_57] : memref<10752x128xf32, #tpu.memory_space<hbm>> -> memref<10752x128xf32, #tpu.memory_space<hbm>>
      tpu.wait_indirect_dma semaphore(%arg13 : memref<!tpu.dma_semaphore, #tpu.memory_space<semaphore_mem>>) src(%dma_wait3A_58 : memref<10752x128xf32, #tpu.memory_space<hbm>>) dst(%arg10 : memref<128x128xf32, #tpu.memory_space<vmem>>)
      "tpu.region"() ({
        %run_scoped3A = tpu.sem_alloc : memref<!tpu.dma_semaphore, #tpu.memory_space<semaphore_mem>>
        %dma_start3A_75 = arith.constant 0 : i32
        %dma_start3A_76 = tpu.memref_slice %arg9[%mul3A_45, %dma_start3A_75] : memref<40x128xi32, #tpu.memory_space<vmem>> -> memref<1x128xi32, #tpu.memory_space<vmem>>
        %dma_start3A_77 = tpu.memref_squeeze %dma_start3A_76 : memref<1x128xi32, #tpu.memory_space<vmem>> -> memref<128xi32, #tpu.memory_space<vmem>>
        %dma_start3A_78 = arith.constant 0 : i32
        %dma_start3A_79 = arith.constant 0 : i32
        %dma_start3A_80 = tpu.memref_slice %arg12[%dma_start3A_78, %dma_start3A_79] : memref<10752x128xf32, #tpu.memory_space<vmem_shared>> -> memref<10752x128xf32, #tpu.memory_space<vmem_shared>>
        tpu.enqueue_indirect_dma source(%arg10 : memref<128x128xf32, #tpu.memory_space<vmem>>) target(%dma_start3A_80 : memref<10752x128xf32, #tpu.memory_space<vmem_shared>>) offsets(%dma_start3A_77 : memref<128xi32, #tpu.memory_space<vmem>>) semaphore(%run_scoped3A : memref<!tpu.dma_semaphore, #tpu.memory_space<semaphore_mem>>) {add = true}
        %dma_wait3A_81 = arith.constant 0 : i32
        %dma_wait3A_82 = tpu.memref_slice %arg9[%mul3A_45, %dma_wait3A_81] : memref<40x128xi32, #tpu.memory_space<vmem>> -> memref<1x128xi32, #tpu.memory_space<vmem>>
        %dma_wait3A_83 = tpu.memref_squeeze %dma_wait3A_82 : memref<1x128xi32, #tpu.memory_space<vmem>> -> memref<128xi32, #tpu.memory_space<vmem>>
        %dma_wait3A_84 = arith.constant 0 : i32
        %dma_wait3A_85 = arith.constant 0 : i32
        %dma_wait3A_86 = tpu.memref_slice %arg12[%dma_wait3A_84, %dma_wait3A_85] : memref<10752x128xf32, #tpu.memory_space<vmem_shared>> -> memref<10752x128xf32, #tpu.memory_space<vmem_shared>>
        tpu.wait_indirect_dma semaphore(%run_scoped3A : memref<!tpu.dma_semaphore, #tpu.memory_space<semaphore_mem>>) src(%arg10 : memref<128x128xf32, #tpu.memory_space<vmem>>) dst(%dma_wait3A_86 : memref<10752x128xf32, #tpu.memory_space<vmem_shared>>)
        tpu.yield
      }) : () -> ()
      %add3A_59 = arith.constant 2 : i32
      %add3A_60 = arith.addi %mul3A_45, %add3A_59 : i32
      %lt3A = arith.constant 40 : i32
      %lt3A_61 = arith.cmpi slt, %add3A_60, %lt3A : i32
      %convert_element_type3A_62 = arith.extui %lt3A_61 : i1 to i32
      %cond3A_63 = arith.constant 0 : i32
      %cond3A_64 = arith.cmpi ne, %convert_element_type3A_62, %cond3A_63 : i32
      scf.if %cond3A_64 {
        %add3A_75 = arith.constant 2 : i32
        %add3A_76 = arith.addi %mul3A_45, %add3A_75 : i32
        %dma_start3A_77 = arith.constant 0 : i32
        %dma_start3A_78 = tpu.memref_slice %arg8[%add3A_76, %dma_start3A_77] : memref<40x128xi32, #tpu.memory_space<vmem>> -> memref<1x128xi32, #tpu.memory_space<vmem>>
        %dma_start3A_79 = tpu.memref_squeeze %dma_start3A_78 : memref<1x128xi32, #tpu.memory_space<vmem>> -> memref<128xi32, #tpu.memory_space<vmem>>
        %dma_start3A_80 = arith.constant 0 : i32
        %dma_start3A_81 = arith.constant 0 : i32
        %dma_start3A_82 = tpu.memref_slice %arg2[%dma_start3A_80, %dma_start3A_81] : memref<10752x128xf32, #tpu.memory_space<hbm>> -> memref<10752x128xf32, #tpu.memory_space<hbm>>
        tpu.enqueue_indirect_dma source(%dma_start3A_82 : memref<10752x128xf32, #tpu.memory_space<hbm>>) target(%arg10 : memref<128x128xf32, #tpu.memory_space<vmem>>) offsets(%dma_start3A_79 : memref<128xi32, #tpu.memory_space<vmem>>) semaphore(%arg13 : memref<!tpu.dma_semaphore, #tpu.memory_space<semaphore_mem>>)
      } else {
      }
      %add3A_65 = arith.constant 1 : i32
      %add3A_66 = arith.addi %mul3A_45, %add3A_65 : i32
      %dma_wait3A_67 = arith.constant 0 : i32
      %dma_wait3A_68 = tpu.memref_slice %arg8[%add3A_66, %dma_wait3A_67] : memref<40x128xi32, #tpu.memory_space<vmem>> -> memref<1x128xi32, #tpu.memory_space<vmem>>
      %dma_wait3A_69 = tpu.memref_squeeze %dma_wait3A_68 : memref<1x128xi32, #tpu.memory_space<vmem>> -> memref<128xi32, #tpu.memory_space<vmem>>
      %dma_wait3A_70 = arith.constant 0 : i32
      %dma_wait3A_71 = arith.constant 0 : i32
      %dma_wait3A_72 = tpu.memref_slice %arg2[%dma_wait3A_70, %dma_wait3A_71] : memref<10752x128xf32, #tpu.memory_space<hbm>> -> memref<10752x128xf32, #tpu.memory_space<hbm>>
      tpu.wait_indirect_dma semaphore(%arg14 : memref<!tpu.dma_semaphore, #tpu.memory_space<semaphore_mem>>) src(%dma_wait3A_72 : memref<10752x128xf32, #tpu.memory_space<hbm>>) dst(%arg11 : memref<128x128xf32, #tpu.memory_space<vmem>>)
      %add3A_73 = arith.constant 1 : i32
      %add3A_74 = arith.addi %mul3A_45, %add3A_73 : i32
      "tpu.region"() ({
        %run_scoped3A = tpu.sem_alloc : memref<!tpu.dma_semaphore, #tpu.memory_space<semaphore_mem>>
        %dma_start3A_75 = arith.constant 0 : i32
        %dma_start3A_76 = tpu.memref_slice %arg9[%add3A_74, %dma_start3A_75] : memref<40x128xi32, #tpu.memory_space<vmem>> -> memref<1x128xi32, #tpu.memory_space<vmem>>
        %dma_start3A_77 = tpu.memref_squeeze %dma_start3A_76 : memref<1x128xi32, #tpu.memory_space<vmem>> -> memref<128xi32, #tpu.memory_space<vmem>>
        %dma_start3A_78 = arith.constant 0 : i32
        %dma_start3A_79 = arith.constant 0 : i32
        %dma_start3A_80 = tpu.memref_slice %arg12[%dma_start3A_78, %dma_start3A_79] : memref<10752x128xf32, #tpu.memory_space<vmem_shared>> -> memref<10752x128xf32, #tpu.memory_space<vmem_shared>>
        tpu.enqueue_indirect_dma source(%arg11 : memref<128x128xf32, #tpu.memory_space<vmem>>) target(%dma_start3A_80 : memref<10752x128xf32, #tpu.memory_space<vmem_shared>>) offsets(%dma_start3A_77 : memref<128xi32, #tpu.memory_space<vmem>>) semaphore(%run_scoped3A : memref<!tpu.dma_semaphore, #tpu.memory_space<semaphore_mem>>) {add = true}
        %dma_wait3A_81 = arith.constant 0 : i32
        %dma_wait3A_82 = tpu.memref_slice %arg9[%add3A_74, %dma_wait3A_81] : memref<40x128xi32, #tpu.memory_space<vmem>> -> memref<1x128xi32, #tpu.memory_space<vmem>>
        %dma_wait3A_83 = tpu.memref_squeeze %dma_wait3A_82 : memref<1x128xi32, #tpu.memory_space<vmem>> -> memref<128xi32, #tpu.memory_space<vmem>>
        %dma_wait3A_84 = arith.constant 0 : i32
        %dma_wait3A_85 = arith.constant 0 : i32
        %dma_wait3A_86 = tpu.memref_slice %arg12[%dma_wait3A_84, %dma_wait3A_85] : memref<10752x128xf32, #tpu.memory_space<vmem_shared>> -> memref<10752x128xf32, #tpu.memory_space<vmem_shared>>
        tpu.wait_indirect_dma semaphore(%run_scoped3A : memref<!tpu.dma_semaphore, #tpu.memory_space<semaphore_mem>>) src(%arg11 : memref<128x128xf32, #tpu.memory_space<vmem>>) dst(%dma_wait3A_86 : memref<10752x128xf32, #tpu.memory_space<vmem_shared>>)
        tpu.yield
      }) : () -> ()
    }
    %scan3A_17 = arith.constant 20 : i32
    %mul3A_18 = arith.constant 80 : i32
    %mul3A_19 = arith.muli %add3A, %mul3A_18 : i32
    %add3A_20 = arith.constant 40 : i32
    %add3A_21 = arith.addi %mul3A_19, %add3A_20 : i32
    "tpu.region"() ({
      %run_scoped3A = tpu.sem_alloc : memref<!tpu.dma_semaphore, #tpu.memory_space<semaphore_mem>>
      %dma_start3A_43 = arith.constant 0 : i32
      %dma_start3A_44 = tpu.memref_slice %arg3[%add3A_21, %dma_start3A_43] : memref<2560x128xi32, #tpu.memory_space<hbm>> -> memref<40x128xi32, #tpu.memory_space<hbm>>
      %dma_start3A_45 = arith.constant 0 : i32
      %dma_start3A_46 = tpu.memref_slice %arg3[%add3A_21, %dma_start3A_45] : memref<2560x128xi32, #tpu.memory_space<hbm>> -> memref<40x128xi32, #tpu.memory_space<hbm>>
      tpu.enqueue_dma source(%dma_start3A_46 : memref<40x128xi32, #tpu.memory_space<hbm>>) target(%arg8 : memref<40x128xi32, #tpu.memory_space<vmem>>) target_semaphore(%run_scoped3A : memref<!tpu.dma_semaphore, #tpu.memory_space<semaphore_mem>>)
      %dma_wait3A = arith.constant 0 : i32
      %dma_wait3A_47 = tpu.memref_slice %arg3[%add3A_21, %dma_wait3A] : memref<2560x128xi32, #tpu.memory_space<hbm>> -> memref<40x128xi32, #tpu.memory_space<hbm>>
      %dma_wait3A_48 = arith.constant 0 : i32
      %dma_wait3A_49 = tpu.memref_slice %arg3[%add3A_21, %dma_wait3A_48] : memref<2560x128xi32, #tpu.memory_space<hbm>> -> memref<40x128xi32, #tpu.memory_space<hbm>>
      tpu.wait_dma2 semaphore(%run_scoped3A : memref<!tpu.dma_semaphore, #tpu.memory_space<semaphore_mem>>) src(%dma_wait3A_49 : memref<40x128xi32, #tpu.memory_space<hbm>>) dst(%arg8 : memref<40x128xi32, #tpu.memory_space<vmem>>)
      tpu.yield
    }) : () -> ()
    "tpu.region"() ({
      %run_scoped3A = tpu.sem_alloc : memref<!tpu.dma_semaphore, #tpu.memory_space<semaphore_mem>>
      %dma_start3A_43 = arith.constant 0 : i32
      %dma_start3A_44 = tpu.memref_slice %arg4[%add3A_21, %dma_start3A_43] : memref<2560x128xi32, #tpu.memory_space<hbm>> -> memref<40x128xi32, #tpu.memory_space<hbm>>
      %dma_start3A_45 = arith.constant 0 : i32
      %dma_start3A_46 = tpu.memref_slice %arg4[%add3A_21, %dma_start3A_45] : memref<2560x128xi32, #tpu.memory_space<hbm>> -> memref<40x128xi32, #tpu.memory_space<hbm>>
      tpu.enqueue_dma source(%dma_start3A_46 : memref<40x128xi32, #tpu.memory_space<hbm>>) target(%arg9 : memref<40x128xi32, #tpu.memory_space<vmem>>) target_semaphore(%run_scoped3A : memref<!tpu.dma_semaphore, #tpu.memory_space<semaphore_mem>>)
      %dma_wait3A = arith.constant 0 : i32
      %dma_wait3A_47 = tpu.memref_slice %arg4[%add3A_21, %dma_wait3A] : memref<2560x128xi32, #tpu.memory_space<hbm>> -> memref<40x128xi32, #tpu.memory_space<hbm>>
      %dma_wait3A_48 = arith.constant 0 : i32
      %dma_wait3A_49 = tpu.memref_slice %arg4[%add3A_21, %dma_wait3A_48] : memref<2560x128xi32, #tpu.memory_space<hbm>> -> memref<40x128xi32, #tpu.memory_space<hbm>>
      tpu.wait_dma2 semaphore(%run_scoped3A : memref<!tpu.dma_semaphore, #tpu.memory_space<semaphore_mem>>) src(%dma_wait3A_49 : memref<40x128xi32, #tpu.memory_space<hbm>>) dst(%arg9 : memref<40x128xi32, #tpu.memory_space<vmem>>)
      tpu.yield
    }) : () -> ()
    %dma_start3A_22 = arith.constant 0 : i32
    %dma_start3A_23 = arith.constant 0 : i32
    %dma_start3A_24 = tpu.memref_slice %arg8[%dma_start3A_22, %dma_start3A_23] : memref<40x128xi32, #tpu.memory_space<vmem>> -> memref<1x128xi32, #tpu.memory_space<vmem>>
    %dma_start3A_25 = tpu.memref_squeeze %dma_start3A_24 : memref<1x128xi32, #tpu.memory_space<vmem>> -> memref<128xi32, #tpu.memory_space<vmem>>
    %dma_start3A_26 = arith.constant 0 : i32
    %dma_start3A_27 = arith.constant 0 : i32
    %dma_start3A_28 = tpu.memref_slice %arg2[%dma_start3A_26, %dma_start3A_27] : memref<10752x128xf32, #tpu.memory_space<hbm>> -> memref<10752x128xf32, #tpu.memory_space<hbm>>
    tpu.enqueue_indirect_dma source(%dma_start3A_28 : memref<10752x128xf32, #tpu.memory_space<hbm>>) target(%arg10 : memref<128x128xf32, #tpu.memory_space<vmem>>) offsets(%dma_start3A_25 : memref<128xi32, #tpu.memory_space<vmem>>) semaphore(%arg13 : memref<!tpu.dma_semaphore, #tpu.memory_space<semaphore_mem>>)
    %scan3A_29 = arith.constant 0 : i32
    %scan3A_30 = arith.constant 0 : i32
    %scan3A_31 = arith.constant 20 : i32
    %scan3A_32 = arith.addi %scan3A_30, %scan3A_31 : i32
    %scan3A_33 = arith.constant 1 : i32
    scf.for %scan3A_43 = %scan3A_30 to %scan3A_32 step %scan3A_33  : i32 {
      %mul3A_44 = arith.constant 2 : i32
      %mul3A_45 = arith.muli %mul3A_44, %scan3A_43 : i32
      %add3A_46 = arith.constant 1 : i32
      %add3A_47 = arith.addi %mul3A_45, %add3A_46 : i32
      %dma_start3A_48 = arith.constant 0 : i32
      %dma_start3A_49 = tpu.memref_slice %arg8[%add3A_47, %dma_start3A_48] : memref<40x128xi32, #tpu.memory_space<vmem>> -> memref<1x128xi32, #tpu.memory_space<vmem>>
      %dma_start3A_50 = tpu.memref_squeeze %dma_start3A_49 : memref<1x128xi32, #tpu.memory_space<vmem>> -> memref<128xi32, #tpu.memory_space<vmem>>
      %dma_start3A_51 = arith.constant 0 : i32
      %dma_start3A_52 = arith.constant 0 : i32
      %dma_start3A_53 = tpu.memref_slice %arg2[%dma_start3A_51, %dma_start3A_52] : memref<10752x128xf32, #tpu.memory_space<hbm>> -> memref<10752x128xf32, #tpu.memory_space<hbm>>
      tpu.enqueue_indirect_dma source(%dma_start3A_53 : memref<10752x128xf32, #tpu.memory_space<hbm>>) target(%arg11 : memref<128x128xf32, #tpu.memory_space<vmem>>) offsets(%dma_start3A_50 : memref<128xi32, #tpu.memory_space<vmem>>) semaphore(%arg14 : memref<!tpu.dma_semaphore, #tpu.memory_space<semaphore_mem>>)
      %dma_wait3A = arith.constant 0 : i32
      %dma_wait3A_54 = tpu.memref_slice %arg8[%mul3A_45, %dma_wait3A] : memref<40x128xi32, #tpu.memory_space<vmem>> -> memref<1x128xi32, #tpu.memory_space<vmem>>
      %dma_wait3A_55 = tpu.memref_squeeze %dma_wait3A_54 : memref<1x128xi32, #tpu.memory_space<vmem>> -> memref<128xi32, #tpu.memory_space<vmem>>
      %dma_wait3A_56 = arith.constant 0 : i32
      %dma_wait3A_57 = arith.constant 0 : i32
      %dma_wait3A_58 = tpu.memref_slice %arg2[%dma_wait3A_56, %dma_wait3A_57] : memref<10752x128xf32, #tpu.memory_space<hbm>> -> memref<10752x128xf32, #tpu.memory_space<hbm>>
      tpu.wait_indirect_dma semaphore(%arg13 : memref<!tpu.dma_semaphore, #tpu.memory_space<semaphore_mem>>) src(%dma_wait3A_58 : memref<10752x128xf32, #tpu.memory_space<hbm>>) dst(%arg10 : memref<128x128xf32, #tpu.memory_space<vmem>>)
      "tpu.region"() ({
        %run_scoped3A = tpu.sem_alloc : memref<!tpu.dma_semaphore, #tpu.memory_space<semaphore_mem>>
        %dma_start3A_75 = arith.constant 0 : i32
        %dma_start3A_76 = tpu.memref_slice %arg9[%mul3A_45, %dma_start3A_75] : memref<40x128xi32, #tpu.memory_space<vmem>> -> memref<1x128xi32, #tpu.memory_space<vmem>>
        %dma_start3A_77 = tpu.memref_squeeze %dma_start3A_76 : memref<1x128xi32, #tpu.memory_space<vmem>> -> memref<128xi32, #tpu.memory_space<vmem>>
        %dma_start3A_78 = arith.constant 0 : i32
        %dma_start3A_79 = arith.constant 0 : i32
        %dma_start3A_80 = tpu.memref_slice %arg12[%dma_start3A_78, %dma_start3A_79] : memref<10752x128xf32, #tpu.memory_space<vmem_shared>> -> memref<10752x128xf32, #tpu.memory_space<vmem_shared>>
        tpu.enqueue_indirect_dma source(%arg10 : memref<128x128xf32, #tpu.memory_space<vmem>>) target(%dma_start3A_80 : memref<10752x128xf32, #tpu.memory_space<vmem_shared>>) offsets(%dma_start3A_77 : memref<128xi32, #tpu.memory_space<vmem>>) semaphore(%run_scoped3A : memref<!tpu.dma_semaphore, #tpu.memory_space<semaphore_mem>>) {add = true}
        %dma_wait3A_81 = arith.constant 0 : i32
        %dma_wait3A_82 = tpu.memref_slice %arg9[%mul3A_45, %dma_wait3A_81] : memref<40x128xi32, #tpu.memory_space<vmem>> -> memref<1x128xi32, #tpu.memory_space<vmem>>
        %dma_wait3A_83 = tpu.memref_squeeze %dma_wait3A_82 : memref<1x128xi32, #tpu.memory_space<vmem>> -> memref<128xi32, #tpu.memory_space<vmem>>
        %dma_wait3A_84 = arith.constant 0 : i32
        %dma_wait3A_85 = arith.constant 0 : i32
        %dma_wait3A_86 = tpu.memref_slice %arg12[%dma_wait3A_84, %dma_wait3A_85] : memref<10752x128xf32, #tpu.memory_space<vmem_shared>> -> memref<10752x128xf32, #tpu.memory_space<vmem_shared>>
        tpu.wait_indirect_dma semaphore(%run_scoped3A : memref<!tpu.dma_semaphore, #tpu.memory_space<semaphore_mem>>) src(%arg10 : memref<128x128xf32, #tpu.memory_space<vmem>>) dst(%dma_wait3A_86 : memref<10752x128xf32, #tpu.memory_space<vmem_shared>>)
        tpu.yield
      }) : () -> ()
      %add3A_59 = arith.constant 2 : i32
      %add3A_60 = arith.addi %mul3A_45, %add3A_59 : i32
      %lt3A = arith.constant 40 : i32
      %lt3A_61 = arith.cmpi slt, %add3A_60, %lt3A : i32
      %convert_element_type3A_62 = arith.extui %lt3A_61 : i1 to i32
      %cond3A_63 = arith.constant 0 : i32
      %cond3A_64 = arith.cmpi ne, %convert_element_type3A_62, %cond3A_63 : i32
      scf.if %cond3A_64 {
        %add3A_75 = arith.constant 2 : i32
        %add3A_76 = arith.addi %mul3A_45, %add3A_75 : i32
        %dma_start3A_77 = arith.constant 0 : i32
        %dma_start3A_78 = tpu.memref_slice %arg8[%add3A_76, %dma_start3A_77] : memref<40x128xi32, #tpu.memory_space<vmem>> -> memref<1x128xi32, #tpu.memory_space<vmem>>
        %dma_start3A_79 = tpu.memref_squeeze %dma_start3A_78 : memref<1x128xi32, #tpu.memory_space<vmem>> -> memref<128xi32, #tpu.memory_space<vmem>>
        %dma_start3A_80 = arith.constant 0 : i32
        %dma_start3A_81 = arith.constant 0 : i32
        %dma_start3A_82 = tpu.memref_slice %arg2[%dma_start3A_80, %dma_start3A_81] : memref<10752x128xf32, #tpu.memory_space<hbm>> -> memref<10752x128xf32, #tpu.memory_space<hbm>>
        tpu.enqueue_indirect_dma source(%dma_start3A_82 : memref<10752x128xf32, #tpu.memory_space<hbm>>) target(%arg10 : memref<128x128xf32, #tpu.memory_space<vmem>>) offsets(%dma_start3A_79 : memref<128xi32, #tpu.memory_space<vmem>>) semaphore(%arg13 : memref<!tpu.dma_semaphore, #tpu.memory_space<semaphore_mem>>)
      } else {
      }
      %add3A_65 = arith.constant 1 : i32
      %add3A_66 = arith.addi %mul3A_45, %add3A_65 : i32
      %dma_wait3A_67 = arith.constant 0 : i32
      %dma_wait3A_68 = tpu.memref_slice %arg8[%add3A_66, %dma_wait3A_67] : memref<40x128xi32, #tpu.memory_space<vmem>> -> memref<1x128xi32, #tpu.memory_space<vmem>>
      %dma_wait3A_69 = tpu.memref_squeeze %dma_wait3A_68 : memref<1x128xi32, #tpu.memory_space<vmem>> -> memref<128xi32, #tpu.memory_space<vmem>>
      %dma_wait3A_70 = arith.constant 0 : i32
      %dma_wait3A_71 = arith.constant 0 : i32
      %dma_wait3A_72 = tpu.memref_slice %arg2[%dma_wait3A_70, %dma_wait3A_71] : memref<10752x128xf32, #tpu.memory_space<hbm>> -> memref<10752x128xf32, #tpu.memory_space<hbm>>
      tpu.wait_indirect_dma semaphore(%arg14 : memref<!tpu.dma_semaphore, #tpu.memory_space<semaphore_mem>>) src(%dma_wait3A_72 : memref<10752x128xf32, #tpu.memory_space<hbm>>) dst(%arg11 : memref<128x128xf32, #tpu.memory_space<vmem>>)
      %add3A_73 = arith.constant 1 : i32
      %add3A_74 = arith.addi %mul3A_45, %add3A_73 : i32
      "tpu.region"() ({
        %run_scoped3A = tpu.sem_alloc : memref<!tpu.dma_semaphore, #tpu.memory_space<semaphore_mem>>
        %dma_start3A_75 = arith.constant 0 : i32
        %dma_start3A_76 = tpu.memref_slice %arg9[%add3A_74, %dma_start3A_75] : memref<40x128xi32, #tpu.memory_space<vmem>> -> memref<1x128xi32, #tpu.memory_space<vmem>>
        %dma_start3A_77 = tpu.memref_squeeze %dma_start3A_76 : memref<1x128xi32, #tpu.memory_space<vmem>> -> memref<128xi32, #tpu.memory_space<vmem>>
        %dma_start3A_78 = arith.constant 0 : i32
        %dma_start3A_79 = arith.constant 0 : i32
        %dma_start3A_80 = tpu.memref_slice %arg12[%dma_start3A_78, %dma_start3A_79] : memref<10752x128xf32, #tpu.memory_space<vmem_shared>> -> memref<10752x128xf32, #tpu.memory_space<vmem_shared>>
        tpu.enqueue_indirect_dma source(%arg11 : memref<128x128xf32, #tpu.memory_space<vmem>>) target(%dma_start3A_80 : memref<10752x128xf32, #tpu.memory_space<vmem_shared>>) offsets(%dma_start3A_77 : memref<128xi32, #tpu.memory_space<vmem>>) semaphore(%run_scoped3A : memref<!tpu.dma_semaphore, #tpu.memory_space<semaphore_mem>>) {add = true}
        %dma_wait3A_81 = arith.constant 0 : i32
        %dma_wait3A_82 = tpu.memref_slice %arg9[%add3A_74, %dma_wait3A_81] : memref<40x128xi32, #tpu.memory_space<vmem>> -> memref<1x128xi32, #tpu.memory_space<vmem>>
        %dma_wait3A_83 = tpu.memref_squeeze %dma_wait3A_82 : memref<1x128xi32, #tpu.memory_space<vmem>> -> memref<128xi32, #tpu.memory_space<vmem>>
        %dma_wait3A_84 = arith.constant 0 : i32
        %dma_wait3A_85 = arith.constant 0 : i32
        %dma_wait3A_86 = tpu.memref_slice %arg12[%dma_wait3A_84, %dma_wait3A_85] : memref<10752x128xf32, #tpu.memory_space<vmem_shared>> -> memref<10752x128xf32, #tpu.memory_space<vmem_shared>>
        tpu.wait_indirect_dma semaphore(%run_scoped3A : memref<!tpu.dma_semaphore, #tpu.memory_space<semaphore_mem>>) src(%arg11 : memref<128x128xf32, #tpu.memory_space<vmem>>) dst(%dma_wait3A_86 : memref<10752x128xf32, #tpu.memory_space<vmem_shared>>)
        tpu.yield
      }) : () -> ()
    }
    %scan3A_34 = arith.constant 20 : i32
    %barrier3A_35 = arith.constant 0 : index
    tpu.barrier barrier_id(%barrier3A_35)
    %eq3A = arith.constant 0 : i32
    %eq3A_36 = arith.cmpi eq, %arg0, %eq3A : i32
    %convert_element_type3A = arith.extui %eq3A_36 : i1 to i32
    %cond3A = arith.constant 0 : i32
    %cond3A_37 = arith.cmpi ne, %convert_element_type3A, %cond3A : i32
    scf.if %cond3A_37 {
      %mul3A_43 = arith.constant 672 : i32
      %mul3A_44 = arith.muli %arg1, %mul3A_43 : i32
      %mul3A_45 = arith.constant 672 : i32
      %mul3A_46 = arith.muli %arg1, %mul3A_45 : i32
      "tpu.region"() ({
        %run_scoped3A = tpu.sem_alloc : memref<!tpu.dma_semaphore, #tpu.memory_space<semaphore_mem>>
        %dma_start3A_47 = arith.constant 0 : i32
        %dma_start3A_48 = tpu.memref_slice %arg6[%mul3A_46, %dma_start3A_47] : memref<10752x128xf32, #tpu.memory_space<hbm>> -> memref<672x128xf32, #tpu.memory_space<hbm>>
        %dma_start3A_49 = arith.constant 0 : i32
        %dma_start3A_50 = tpu.memref_slice %arg12[%mul3A_44, %dma_start3A_49] : memref<10752x128xf32, #tpu.memory_space<vmem_shared>> -> memref<672x128xf32, #tpu.memory_space<vmem_shared>>
        tpu.enqueue_dma source(%dma_start3A_50 : memref<672x128xf32, #tpu.memory_space<vmem_shared>>) target(%dma_start3A_48 : memref<672x128xf32, #tpu.memory_space<hbm>>) target_semaphore(%run_scoped3A : memref<!tpu.dma_semaphore, #tpu.memory_space<semaphore_mem>>)
        %dma_wait3A = arith.constant 0 : i32
        %dma_wait3A_51 = tpu.memref_slice %arg6[%mul3A_46, %dma_wait3A] : memref<10752x128xf32, #tpu.memory_space<hbm>> -> memref<672x128xf32, #tpu.memory_space<hbm>>
        %dma_wait3A_52 = arith.constant 0 : i32
        %dma_wait3A_53 = tpu.memref_slice %arg12[%mul3A_44, %dma_wait3A_52] : memref<10752x128xf32, #tpu.memory_space<vmem_shared>> -> memref<672x128xf32, #tpu.memory_space<vmem_shared>>
        tpu.wait_dma2 semaphore(%run_scoped3A : memref<!tpu.dma_semaphore, #tpu.memory_space<semaphore_mem>>) src(%dma_wait3A_53 : memref<672x128xf32, #tpu.memory_space<vmem_shared>>) dst(%dma_wait3A_51 : memref<672x128xf32, #tpu.memory_space<hbm>>)
        tpu.yield
      }) : () -> ()
    } else {
    }
    %eq3A_38 = arith.constant 1 : i32
    %eq3A_39 = arith.cmpi eq, %arg0, %eq3A_38 : i32
    %convert_element_type3A_40 = arith.extui %eq3A_39 : i1 to i32
    %cond3A_41 = arith.constant 0 : i32
    %cond3A_42 = arith.cmpi ne, %convert_element_type3A_40, %cond3A_41 : i32
    scf.if %cond3A_42 {
      %mul3A_43 = arith.constant 672 : i32
      %mul3A_44 = arith.muli %arg1, %mul3A_43 : i32
      %mul3A_45 = arith.constant 672 : i32
      %mul3A_46 = arith.muli %arg1, %mul3A_45 : i32
      "tpu.region"() ({
        %run_scoped3A = tpu.sem_alloc : memref<!tpu.dma_semaphore, #tpu.memory_space<semaphore_mem>>
        %dma_start3A_47 = arith.constant 0 : i32
        %dma_start3A_48 = tpu.memref_slice %arg7[%mul3A_46, %dma_start3A_47] : memref<10752x128xf32, #tpu.memory_space<hbm>> -> memref<672x128xf32, #tpu.memory_space<hbm>>
        %dma_start3A_49 = arith.constant 0 : i32
        %dma_start3A_50 = tpu.memref_slice %arg12[%mul3A_44, %dma_start3A_49] : memref<10752x128xf32, #tpu.memory_space<vmem_shared>> -> memref<672x128xf32, #tpu.memory_space<vmem_shared>>
        tpu.enqueue_dma source(%dma_start3A_50 : memref<672x128xf32, #tpu.memory_space<vmem_shared>>) target(%dma_start3A_48 : memref<672x128xf32, #tpu.memory_space<hbm>>) target_semaphore(%run_scoped3A : memref<!tpu.dma_semaphore, #tpu.memory_space<semaphore_mem>>)
        %dma_wait3A = arith.constant 0 : i32
        %dma_wait3A_51 = tpu.memref_slice %arg7[%mul3A_46, %dma_wait3A] : memref<10752x128xf32, #tpu.memory_space<hbm>> -> memref<672x128xf32, #tpu.memory_space<hbm>>
        %dma_wait3A_52 = arith.constant 0 : i32
        %dma_wait3A_53 = tpu.memref_slice %arg12[%mul3A_44, %dma_wait3A_52] : memref<10752x128xf32, #tpu.memory_space<vmem_shared>> -> memref<672x128xf32, #tpu.memory_space<vmem_shared>>
        tpu.wait_dma2 semaphore(%run_scoped3A : memref<!tpu.dma_semaphore, #tpu.memory_space<semaphore_mem>>) src(%dma_wait3A_53 : memref<672x128xf32, #tpu.memory_space<vmem_shared>>) dst(%dma_wait3A_51 : memref<672x128xf32, #tpu.memory_space<hbm>>)
        tpu.yield
      }) : () -> ()
    } else {
    }
    return
  }
}

#map = affine_map<(d0, d1) -> (0, 0)>
module attributes {stable_mosaic.version = 14 : i64} {
  func.func @k(%arg0: i32, %arg1: i32, %arg2: memref<10752x128xf32, #tpu.memory_space<hbm>>, %arg3: memref<2560x128xi32, #tpu.memory_space<hbm>>, %arg4: memref<2560x128xi32, #tpu.memory_space<hbm>>, %arg5: memref<672x128xf32, #tpu.memory_space<hbm>>, %arg6: memref<10752x128xf32, #tpu.memory_space<hbm>>, %arg7: memref<10752x128xf32, #tpu.memory_space<hbm>>, %arg8: memref<40x128xi32, #tpu.memory_space<vmem>>, %arg9: memref<40x128xi32, #tpu.memory_space<vmem>>, %arg10: memref<128x128xf32, #tpu.memory_space<vmem>>, %arg11: memref<128x128xf32, #tpu.memory_space<vmem>>, %arg12: memref<10752x128xf32, #tpu.memory_space<vmem_shared>>, %arg13: memref<!tpu.dma_semaphore, #tpu.memory_space<semaphore_mem>>, %arg14: memref<!tpu.dma_semaphore, #tpu.memory_space<semaphore_mem>>) attributes {dimension_semantics = [#tpu.dimension_semantics<core_parallel>, #tpu.dimension_semantics<subcore_parallel>], iteration_bounds = array<i64: 2, 16>, scalar_prefetch = 0 : i64, scratch_operands = 7 : i64, tpu.core_type = #tpu.core_type<sc_vector_subcore>, window_params = [{transform_indices = #map}, {transform_indices = #map}, {transform_indices = #map}, {transform_indices = #map}, {transform_indices = #map}, {transform_indices = #map}]} {
    %mul3A = arith.constant 2 : i32
    %mul3A_0 = arith.muli %arg1, %mul3A : i32
    %add3A = arith.addi %mul3A_0, %arg0 : i32
    %mul3A_1 = arith.constant 672 : i32
    %mul3A_2 = arith.muli %arg1, %mul3A_1 : i32
    "tpu.region"() ({
      %run_scoped3A = tpu.sem_alloc : memref<!tpu.dma_semaphore, #tpu.memory_space<semaphore_mem>>
      %dma_start3A_43 = arith.constant 0 : i32
      %dma_start3A_44 = tpu.memref_slice %arg12[%mul3A_2, %dma_start3A_43] : memref<10752x128xf32, #tpu.memory_space<vmem_shared>> -> memref<672x128xf32, #tpu.memory_space<vmem_shared>>
      tpu.enqueue_dma source(%arg5 : memref<672x128xf32, #tpu.memory_space<hbm>>) target(%dma_start3A_44 : memref<672x128xf32, #tpu.memory_space<vmem_shared>>) target_semaphore(%run_scoped3A : memref<!tpu.dma_semaphore, #tpu.memory_space<semaphore_mem>>)
      %dma_wait3A = arith.constant 0 : i32
      %dma_wait3A_45 = tpu.memref_slice %arg12[%mul3A_2, %dma_wait3A] : memref<10752x128xf32, #tpu.memory_space<vmem_shared>> -> memref<672x128xf32, #tpu.memory_space<vmem_shared>>
      tpu.wait_dma2 semaphore(%run_scoped3A : memref<!tpu.dma_semaphore, #tpu.memory_space<semaphore_mem>>) src(%arg5 : memref<672x128xf32, #tpu.memory_space<hbm>>) dst(%dma_wait3A_45 : memref<672x128xf32, #tpu.memory_space<vmem_shared>>)
      tpu.yield
    }) : () -> ()
    %barrier3A = arith.constant 0 : index
    tpu.barrier barrier_id(%barrier3A)
    %mul3A_3 = arith.constant 80 : i32
    %mul3A_4 = arith.muli %add3A, %mul3A_3 : i32
    %add3A_5 = arith.constant 0 : i32
    %add3A_6 = arith.addi %mul3A_4, %add3A_5 : i32
    "tpu.region"() ({
      %run_scoped3A = tpu.sem_alloc : memref<!tpu.dma_semaphore, #tpu.memory_space<semaphore_mem>>
      %dma_start3A_43 = arith.constant 0 : i32
      %dma_start3A_44 = tpu.memref_slice %arg3[%add3A_6, %dma_start3A_43] : memref<2560x128xi32, #tpu.memory_space<hbm>> -> memref<40x128xi32, #tpu.memory_space<hbm>>
      %dma_start3A_45 = arith.constant 0 : i32
      %dma_start3A_46 = tpu.memref_slice %arg3[%add3A_6, %dma_start3A_45] : memref<2560x128xi32, #tpu.memory_space<hbm>> -> memref<40x128xi32, #tpu.memory_space<hbm>>
      tpu.enqueue_dma source(%dma_start3A_46 : memref<40x128xi32, #tpu.memory_space<hbm>>) target(%arg8 : memref<40x128xi32, #tpu.memory_space<vmem>>) target_semaphore(%run_scoped3A : memref<!tpu.dma_semaphore, #tpu.memory_space<semaphore_mem>>)
      %dma_wait3A = arith.constant 0 : i32
      %dma_wait3A_47 = tpu.memref_slice %arg3[%add3A_6, %dma_wait3A] : memref<2560x128xi32, #tpu.memory_space<hbm>> -> memref<40x128xi32, #tpu.memory_space<hbm>>
      %dma_wait3A_48 = arith.constant 0 : i32
      %dma_wait3A_49 = tpu.memref_slice %arg3[%add3A_6, %dma_wait3A_48] : memref<2560x128xi32, #tpu.memory_space<hbm>> -> memref<40x128xi32, #tpu.memory_space<hbm>>
      tpu.wait_dma2 semaphore(%run_scoped3A : memref<!tpu.dma_semaphore, #tpu.memory_space<semaphore_mem>>) src(%dma_wait3A_49 : memref<40x128xi32, #tpu.memory_space<hbm>>) dst(%arg8 : memref<40x128xi32, #tpu.memory_space<vmem>>)
      tpu.yield
    }) : () -> ()
    "tpu.region"() ({
      %run_scoped3A = tpu.sem_alloc : memref<!tpu.dma_semaphore, #tpu.memory_space<semaphore_mem>>
      %dma_start3A_43 = arith.constant 0 : i32
      %dma_start3A_44 = tpu.memref_slice %arg4[%add3A_6, %dma_start3A_43] : memref<2560x128xi32, #tpu.memory_space<hbm>> -> memref<40x128xi32, #tpu.memory_space<hbm>>
      %dma_start3A_45 = arith.constant 0 : i32
      %dma_start3A_46 = tpu.memref_slice %arg4[%add3A_6, %dma_start3A_45] : memref<2560x128xi32, #tpu.memory_space<hbm>> -> memref<40x128xi32, #tpu.memory_space<hbm>>
      tpu.enqueue_dma source(%dma_start3A_46 : memref<40x128xi32, #tpu.memory_space<hbm>>) target(%arg9 : memref<40x128xi32, #tpu.memory_space<vmem>>) target_semaphore(%run_scoped3A : memref<!tpu.dma_semaphore, #tpu.memory_space<semaphore_mem>>)
      %dma_wait3A = arith.constant 0 : i32
      %dma_wait3A_47 = tpu.memref_slice %arg4[%add3A_6, %dma_wait3A] : memref<2560x128xi32, #tpu.memory_space<hbm>> -> memref<40x128xi32, #tpu.memory_space<hbm>>
      %dma_wait3A_48 = arith.constant 0 : i32
      %dma_wait3A_49 = tpu.memref_slice %arg4[%add3A_6, %dma_wait3A_48] : memref<2560x128xi32, #tpu.memory_space<hbm>> -> memref<40x128xi32, #tpu.memory_space<hbm>>
      tpu.wait_dma2 semaphore(%run_scoped3A : memref<!tpu.dma_semaphore, #tpu.memory_space<semaphore_mem>>) src(%dma_wait3A_49 : memref<40x128xi32, #tpu.memory_space<hbm>>) dst(%arg9 : memref<40x128xi32, #tpu.memory_space<vmem>>)
      tpu.yield
    }) : () -> ()
    %dma_start3A = arith.constant 0 : i32
    %dma_start3A_7 = arith.constant 0 : i32
    %dma_start3A_8 = tpu.memref_slice %arg8[%dma_start3A, %dma_start3A_7] : memref<40x128xi32, #tpu.memory_space<vmem>> -> memref<1x128xi32, #tpu.memory_space<vmem>>
    %dma_start3A_9 = tpu.memref_squeeze %dma_start3A_8 : memref<1x128xi32, #tpu.memory_space<vmem>> -> memref<128xi32, #tpu.memory_space<vmem>>
    %dma_start3A_10 = arith.constant 0 : i32
    %dma_start3A_11 = arith.constant 0 : i32
    %dma_start3A_12 = tpu.memref_slice %arg2[%dma_start3A_10, %dma_start3A_11] : memref<10752x128xf32, #tpu.memory_space<hbm>> -> memref<10752x128xf32, #tpu.memory_space<hbm>>
    tpu.enqueue_indirect_dma source(%dma_start3A_12 : memref<10752x128xf32, #tpu.memory_space<hbm>>) target(%arg10 : memref<128x128xf32, #tpu.memory_space<vmem>>) offsets(%dma_start3A_9 : memref<128xi32, #tpu.memory_space<vmem>>) semaphore(%arg13 : memref<!tpu.dma_semaphore, #tpu.memory_space<semaphore_mem>>)
    %scan3A = arith.constant 0 : i32
    %scan3A_13 = arith.constant 0 : i32
    %scan3A_14 = arith.constant 20 : i32
    %scan3A_15 = arith.addi %scan3A_13, %scan3A_14 : i32
    %scan3A_16 = arith.constant 1 : i32
    scf.for %scan3A_43 = %scan3A_13 to %scan3A_15 step %scan3A_16  : i32 {
      %mul3A_44 = arith.constant 2 : i32
      %mul3A_45 = arith.muli %mul3A_44, %scan3A_43 : i32
      %add3A_46 = arith.constant 1 : i32
      %add3A_47 = arith.addi %mul3A_45, %add3A_46 : i32
      %dma_start3A_48 = arith.constant 0 : i32
      %dma_start3A_49 = tpu.memref_slice %arg8[%add3A_47, %dma_start3A_48] : memref<40x128xi32, #tpu.memory_space<vmem>> -> memref<1x128xi32, #tpu.memory_space<vmem>>
      %dma_start3A_50 = tpu.memref_squeeze %dma_start3A_49 : memref<1x128xi32, #tpu.memory_space<vmem>> -> memref<128xi32, #tpu.memory_space<vmem>>
      %dma_start3A_51 = arith.constant 0 : i32
      %dma_start3A_52 = arith.constant 0 : i32
      %dma_start3A_53 = tpu.memref_slice %arg2[%dma_start3A_51, %dma_start3A_52] : memref<10752x128xf32, #tpu.memory_space<hbm>> -> memref<10752x128xf32, #tpu.memory_space<hbm>>
      tpu.enqueue_indirect_dma source(%dma_start3A_53 : memref<10752x128xf32, #tpu.memory_space<hbm>>) target(%arg11 : memref<128x128xf32, #tpu.memory_space<vmem>>) offsets(%dma_start3A_50 : memref<128xi32, #tpu.memory_space<vmem>>) semaphore(%arg14 : memref<!tpu.dma_semaphore, #tpu.memory_space<semaphore_mem>>)
      %dma_wait3A = arith.constant 0 : i32
      %dma_wait3A_54 = tpu.memref_slice %arg8[%mul3A_45, %dma_wait3A] : memref<40x128xi32, #tpu.memory_space<vmem>> -> memref<1x128xi32, #tpu.memory_space<vmem>>
      %dma_wait3A_55 = tpu.memref_squeeze %dma_wait3A_54 : memref<1x128xi32, #tpu.memory_space<vmem>> -> memref<128xi32, #tpu.memory_space<vmem>>
      %dma_wait3A_56 = arith.constant 0 : i32
      %dma_wait3A_57 = arith.constant 0 : i32
      %dma_wait3A_58 = tpu.memref_slice %arg2[%dma_wait3A_56, %dma_wait3A_57] : memref<10752x128xf32, #tpu.memory_space<hbm>> -> memref<10752x128xf32, #tpu.memory_space<hbm>>
      tpu.wait_indirect_dma semaphore(%arg13 : memref<!tpu.dma_semaphore, #tpu.memory_space<semaphore_mem>>) src(%dma_wait3A_58 : memref<10752x128xf32, #tpu.memory_space<hbm>>) dst(%arg10 : memref<128x128xf32, #tpu.memory_space<vmem>>)
      "tpu.region"() ({
        %run_scoped3A = tpu.sem_alloc : memref<!tpu.dma_semaphore, #tpu.memory_space<semaphore_mem>>
        %dma_start3A_75 = arith.constant 0 : i32
        %dma_start3A_76 = tpu.memref_slice %arg9[%mul3A_45, %dma_start3A_75] : memref<40x128xi32, #tpu.memory_space<vmem>> -> memref<1x128xi32, #tpu.memory_space<vmem>>
        %dma_start3A_77 = tpu.memref_squeeze %dma_start3A_76 : memref<1x128xi32, #tpu.memory_space<vmem>> -> memref<128xi32, #tpu.memory_space<vmem>>
        %dma_start3A_78 = arith.constant 0 : i32
        %dma_start3A_79 = arith.constant 0 : i32
        %dma_start3A_80 = tpu.memref_slice %arg12[%dma_start3A_78, %dma_start3A_79] : memref<10752x128xf32, #tpu.memory_space<vmem_shared>> -> memref<10752x128xf32, #tpu.memory_space<vmem_shared>>
        tpu.enqueue_indirect_dma source(%arg10 : memref<128x128xf32, #tpu.memory_space<vmem>>) target(%dma_start3A_80 : memref<10752x128xf32, #tpu.memory_space<vmem_shared>>) offsets(%dma_start3A_77 : memref<128xi32, #tpu.memory_space<vmem>>) semaphore(%run_scoped3A : memref<!tpu.dma_semaphore, #tpu.memory_space<semaphore_mem>>) {add = true}
        %dma_wait3A_81 = arith.constant 0 : i32
        %dma_wait3A_82 = tpu.memref_slice %arg9[%mul3A_45, %dma_wait3A_81] : memref<40x128xi32, #tpu.memory_space<vmem>> -> memref<1x128xi32, #tpu.memory_space<vmem>>
        %dma_wait3A_83 = tpu.memref_squeeze %dma_wait3A_82 : memref<1x128xi32, #tpu.memory_space<vmem>> -> memref<128xi32, #tpu.memory_space<vmem>>
        %dma_wait3A_84 = arith.constant 0 : i32
        %dma_wait3A_85 = arith.constant 0 : i32
        %dma_wait3A_86 = tpu.memref_slice %arg12[%dma_wait3A_84, %dma_wait3A_85] : memref<10752x128xf32, #tpu.memory_space<vmem_shared>> -> memref<10752x128xf32, #tpu.memory_space<vmem_shared>>
        tpu.wait_indirect_dma semaphore(%run_scoped3A : memref<!tpu.dma_semaphore, #tpu.memory_space<semaphore_mem>>) src(%arg10 : memref<128x128xf32, #tpu.memory_space<vmem>>) dst(%dma_wait3A_86 : memref<10752x128xf32, #tpu.memory_space<vmem_shared>>)
        tpu.yield
      }) : () -> ()
      %add3A_59 = arith.constant 2 : i32
      %add3A_60 = arith.addi %mul3A_45, %add3A_59 : i32
      %lt3A = arith.constant 40 : i32
      %lt3A_61 = arith.cmpi slt, %add3A_60, %lt3A : i32
      %convert_element_type3A_62 = arith.extui %lt3A_61 : i1 to i32
      %cond3A_63 = arith.constant 0 : i32
      %cond3A_64 = arith.cmpi ne, %convert_element_type3A_62, %cond3A_63 : i32
      scf.if %cond3A_64 {
        %add3A_75 = arith.constant 2 : i32
        %add3A_76 = arith.addi %mul3A_45, %add3A_75 : i32
        %dma_start3A_77 = arith.constant 0 : i32
        %dma_start3A_78 = tpu.memref_slice %arg8[%add3A_76, %dma_start3A_77] : memref<40x128xi32, #tpu.memory_space<vmem>> -> memref<1x128xi32, #tpu.memory_space<vmem>>
        %dma_start3A_79 = tpu.memref_squeeze %dma_start3A_78 : memref<1x128xi32, #tpu.memory_space<vmem>> -> memref<128xi32, #tpu.memory_space<vmem>>
        %dma_start3A_80 = arith.constant 0 : i32
        %dma_start3A_81 = arith.constant 0 : i32
        %dma_start3A_82 = tpu.memref_slice %arg2[%dma_start3A_80, %dma_start3A_81] : memref<10752x128xf32, #tpu.memory_space<hbm>> -> memref<10752x128xf32, #tpu.memory_space<hbm>>
        tpu.enqueue_indirect_dma source(%dma_start3A_82 : memref<10752x128xf32, #tpu.memory_space<hbm>>) target(%arg10 : memref<128x128xf32, #tpu.memory_space<vmem>>) offsets(%dma_start3A_79 : memref<128xi32, #tpu.memory_space<vmem>>) semaphore(%arg13 : memref<!tpu.dma_semaphore, #tpu.memory_space<semaphore_mem>>)
      } else {
      }
      %add3A_65 = arith.constant 1 : i32
      %add3A_66 = arith.addi %mul3A_45, %add3A_65 : i32
      %dma_wait3A_67 = arith.constant 0 : i32
      %dma_wait3A_68 = tpu.memref_slice %arg8[%add3A_66, %dma_wait3A_67] : memref<40x128xi32, #tpu.memory_space<vmem>> -> memref<1x128xi32, #tpu.memory_space<vmem>>
      %dma_wait3A_69 = tpu.memref_squeeze %dma_wait3A_68 : memref<1x128xi32, #tpu.memory_space<vmem>> -> memref<128xi32, #tpu.memory_space<vmem>>
      %dma_wait3A_70 = arith.constant 0 : i32
      %dma_wait3A_71 = arith.constant 0 : i32
      %dma_wait3A_72 = tpu.memref_slice %arg2[%dma_wait3A_70, %dma_wait3A_71] : memref<10752x128xf32, #tpu.memory_space<hbm>> -> memref<10752x128xf32, #tpu.memory_space<hbm>>
      tpu.wait_indirect_dma semaphore(%arg14 : memref<!tpu.dma_semaphore, #tpu.memory_space<semaphore_mem>>) src(%dma_wait3A_72 : memref<10752x128xf32, #tpu.memory_space<hbm>>) dst(%arg11 : memref<128x128xf32, #tpu.memory_space<vmem>>)
      %add3A_73 = arith.constant 1 : i32
      %add3A_74 = arith.addi %mul3A_45, %add3A_73 : i32
      "tpu.region"() ({
        %run_scoped3A = tpu.sem_alloc : memref<!tpu.dma_semaphore, #tpu.memory_space<semaphore_mem>>
        %dma_start3A_75 = arith.constant 0 : i32
        %dma_start3A_76 = tpu.memref_slice %arg9[%add3A_74, %dma_start3A_75] : memref<40x128xi32, #tpu.memory_space<vmem>> -> memref<1x128xi32, #tpu.memory_space<vmem>>
        %dma_start3A_77 = tpu.memref_squeeze %dma_start3A_76 : memref<1x128xi32, #tpu.memory_space<vmem>> -> memref<128xi32, #tpu.memory_space<vmem>>
        %dma_start3A_78 = arith.constant 0 : i32
        %dma_start3A_79 = arith.constant 0 : i32
        %dma_start3A_80 = tpu.memref_slice %arg12[%dma_start3A_78, %dma_start3A_79] : memref<10752x128xf32, #tpu.memory_space<vmem_shared>> -> memref<10752x128xf32, #tpu.memory_space<vmem_shared>>
        tpu.enqueue_indirect_dma source(%arg11 : memref<128x128xf32, #tpu.memory_space<vmem>>) target(%dma_start3A_80 : memref<10752x128xf32, #tpu.memory_space<vmem_shared>>) offsets(%dma_start3A_77 : memref<128xi32, #tpu.memory_space<vmem>>) semaphore(%run_scoped3A : memref<!tpu.dma_semaphore, #tpu.memory_space<semaphore_mem>>) {add = true}
        %dma_wait3A_81 = arith.constant 0 : i32
        %dma_wait3A_82 = tpu.memref_slice %arg9[%add3A_74, %dma_wait3A_81] : memref<40x128xi32, #tpu.memory_space<vmem>> -> memref<1x128xi32, #tpu.memory_space<vmem>>
        %dma_wait3A_83 = tpu.memref_squeeze %dma_wait3A_82 : memref<1x128xi32, #tpu.memory_space<vmem>> -> memref<128xi32, #tpu.memory_space<vmem>>
        %dma_wait3A_84 = arith.constant 0 : i32
        %dma_wait3A_85 = arith.constant 0 : i32
        %dma_wait3A_86 = tpu.memref_slice %arg12[%dma_wait3A_84, %dma_wait3A_85] : memref<10752x128xf32, #tpu.memory_space<vmem_shared>> -> memref<10752x128xf32, #tpu.memory_space<vmem_shared>>
        tpu.wait_indirect_dma semaphore(%run_scoped3A : memref<!tpu.dma_semaphore, #tpu.memory_space<semaphore_mem>>) src(%arg11 : memref<128x128xf32, #tpu.memory_space<vmem>>) dst(%dma_wait3A_86 : memref<10752x128xf32, #tpu.memory_space<vmem_shared>>)
        tpu.yield
      }) : () -> ()
    }
    %scan3A_17 = arith.constant 20 : i32
    %mul3A_18 = arith.constant 80 : i32
    %mul3A_19 = arith.muli %add3A, %mul3A_18 : i32
    %add3A_20 = arith.constant 40 : i32
    %add3A_21 = arith.addi %mul3A_19, %add3A_20 : i32
    "tpu.region"() ({
      %run_scoped3A = tpu.sem_alloc : memref<!tpu.dma_semaphore, #tpu.memory_space<semaphore_mem>>
      %dma_start3A_43 = arith.constant 0 : i32
      %dma_start3A_44 = tpu.memref_slice %arg3[%add3A_21, %dma_start3A_43] : memref<2560x128xi32, #tpu.memory_space<hbm>> -> memref<40x128xi32, #tpu.memory_space<hbm>>
      %dma_start3A_45 = arith.constant 0 : i32
      %dma_start3A_46 = tpu.memref_slice %arg3[%add3A_21, %dma_start3A_45] : memref<2560x128xi32, #tpu.memory_space<hbm>> -> memref<40x128xi32, #tpu.memory_space<hbm>>
      tpu.enqueue_dma source(%dma_start3A_46 : memref<40x128xi32, #tpu.memory_space<hbm>>) target(%arg8 : memref<40x128xi32, #tpu.memory_space<vmem>>) target_semaphore(%run_scoped3A : memref<!tpu.dma_semaphore, #tpu.memory_space<semaphore_mem>>)
      %dma_wait3A = arith.constant 0 : i32
      %dma_wait3A_47 = tpu.memref_slice %arg3[%add3A_21, %dma_wait3A] : memref<2560x128xi32, #tpu.memory_space<hbm>> -> memref<40x128xi32, #tpu.memory_space<hbm>>
      %dma_wait3A_48 = arith.constant 0 : i32
      %dma_wait3A_49 = tpu.memref_slice %arg3[%add3A_21, %dma_wait3A_48] : memref<2560x128xi32, #tpu.memory_space<hbm>> -> memref<40x128xi32, #tpu.memory_space<hbm>>
      tpu.wait_dma2 semaphore(%run_scoped3A : memref<!tpu.dma_semaphore, #tpu.memory_space<semaphore_mem>>) src(%dma_wait3A_49 : memref<40x128xi32, #tpu.memory_space<hbm>>) dst(%arg8 : memref<40x128xi32, #tpu.memory_space<vmem>>)
      tpu.yield
    }) : () -> ()
    "tpu.region"() ({
      %run_scoped3A = tpu.sem_alloc : memref<!tpu.dma_semaphore, #tpu.memory_space<semaphore_mem>>
      %dma_start3A_43 = arith.constant 0 : i32
      %dma_start3A_44 = tpu.memref_slice %arg4[%add3A_21, %dma_start3A_43] : memref<2560x128xi32, #tpu.memory_space<hbm>> -> memref<40x128xi32, #tpu.memory_space<hbm>>
      %dma_start3A_45 = arith.constant 0 : i32
      %dma_start3A_46 = tpu.memref_slice %arg4[%add3A_21, %dma_start3A_45] : memref<2560x128xi32, #tpu.memory_space<hbm>> -> memref<40x128xi32, #tpu.memory_space<hbm>>
      tpu.enqueue_dma source(%dma_start3A_46 : memref<40x128xi32, #tpu.memory_space<hbm>>) target(%arg9 : memref<40x128xi32, #tpu.memory_space<vmem>>) target_semaphore(%run_scoped3A : memref<!tpu.dma_semaphore, #tpu.memory_space<semaphore_mem>>)
      %dma_wait3A = arith.constant 0 : i32
      %dma_wait3A_47 = tpu.memref_slice %arg4[%add3A_21, %dma_wait3A] : memref<2560x128xi32, #tpu.memory_space<hbm>> -> memref<40x128xi32, #tpu.memory_space<hbm>>
      %dma_wait3A_48 = arith.constant 0 : i32
      %dma_wait3A_49 = tpu.memref_slice %arg4[%add3A_21, %dma_wait3A_48] : memref<2560x128xi32, #tpu.memory_space<hbm>> -> memref<40x128xi32, #tpu.memory_space<hbm>>
      tpu.wait_dma2 semaphore(%run_scoped3A : memref<!tpu.dma_semaphore, #tpu.memory_space<semaphore_mem>>) src(%dma_wait3A_49 : memref<40x128xi32, #tpu.memory_space<hbm>>) dst(%arg9 : memref<40x128xi32, #tpu.memory_space<vmem>>)
      tpu.yield
    }) : () -> ()
    %dma_start3A_22 = arith.constant 0 : i32
    %dma_start3A_23 = arith.constant 0 : i32
    %dma_start3A_24 = tpu.memref_slice %arg8[%dma_start3A_22, %dma_start3A_23] : memref<40x128xi32, #tpu.memory_space<vmem>> -> memref<1x128xi32, #tpu.memory_space<vmem>>
    %dma_start3A_25 = tpu.memref_squeeze %dma_start3A_24 : memref<1x128xi32, #tpu.memory_space<vmem>> -> memref<128xi32, #tpu.memory_space<vmem>>
    %dma_start3A_26 = arith.constant 0 : i32
    %dma_start3A_27 = arith.constant 0 : i32
    %dma_start3A_28 = tpu.memref_slice %arg2[%dma_start3A_26, %dma_start3A_27] : memref<10752x128xf32, #tpu.memory_space<hbm>> -> memref<10752x128xf32, #tpu.memory_space<hbm>>
    tpu.enqueue_indirect_dma source(%dma_start3A_28 : memref<10752x128xf32, #tpu.memory_space<hbm>>) target(%arg10 : memref<128x128xf32, #tpu.memory_space<vmem>>) offsets(%dma_start3A_25 : memref<128xi32, #tpu.memory_space<vmem>>) semaphore(%arg13 : memref<!tpu.dma_semaphore, #tpu.memory_space<semaphore_mem>>)
    %scan3A_29 = arith.constant 0 : i32
    %scan3A_30 = arith.constant 0 : i32
    %scan3A_31 = arith.constant 20 : i32
    %scan3A_32 = arith.addi %scan3A_30, %scan3A_31 : i32
    %scan3A_33 = arith.constant 1 : i32
    scf.for %scan3A_43 = %scan3A_30 to %scan3A_32 step %scan3A_33  : i32 {
      %mul3A_44 = arith.constant 2 : i32
      %mul3A_45 = arith.muli %mul3A_44, %scan3A_43 : i32
      %add3A_46 = arith.constant 1 : i32
      %add3A_47 = arith.addi %mul3A_45, %add3A_46 : i32
      %dma_start3A_48 = arith.constant 0 : i32
      %dma_start3A_49 = tpu.memref_slice %arg8[%add3A_47, %dma_start3A_48] : memref<40x128xi32, #tpu.memory_space<vmem>> -> memref<1x128xi32, #tpu.memory_space<vmem>>
      %dma_start3A_50 = tpu.memref_squeeze %dma_start3A_49 : memref<1x128xi32, #tpu.memory_space<vmem>> -> memref<128xi32, #tpu.memory_space<vmem>>
      %dma_start3A_51 = arith.constant 0 : i32
      %dma_start3A_52 = arith.constant 0 : i32
      %dma_start3A_53 = tpu.memref_slice %arg2[%dma_start3A_51, %dma_start3A_52] : memref<10752x128xf32, #tpu.memory_space<hbm>> -> memref<10752x128xf32, #tpu.memory_space<hbm>>
      tpu.enqueue_indirect_dma source(%dma_start3A_53 : memref<10752x128xf32, #tpu.memory_space<hbm>>) target(%arg11 : memref<128x128xf32, #tpu.memory_space<vmem>>) offsets(%dma_start3A_50 : memref<128xi32, #tpu.memory_space<vmem>>) semaphore(%arg14 : memref<!tpu.dma_semaphore, #tpu.memory_space<semaphore_mem>>)
      %dma_wait3A = arith.constant 0 : i32
      %dma_wait3A_54 = tpu.memref_slice %arg8[%mul3A_45, %dma_wait3A] : memref<40x128xi32, #tpu.memory_space<vmem>> -> memref<1x128xi32, #tpu.memory_space<vmem>>
      %dma_wait3A_55 = tpu.memref_squeeze %dma_wait3A_54 : memref<1x128xi32, #tpu.memory_space<vmem>> -> memref<128xi32, #tpu.memory_space<vmem>>
      %dma_wait3A_56 = arith.constant 0 : i32
      %dma_wait3A_57 = arith.constant 0 : i32
      %dma_wait3A_58 = tpu.memref_slice %arg2[%dma_wait3A_56, %dma_wait3A_57] : memref<10752x128xf32, #tpu.memory_space<hbm>> -> memref<10752x128xf32, #tpu.memory_space<hbm>>
      tpu.wait_indirect_dma semaphore(%arg13 : memref<!tpu.dma_semaphore, #tpu.memory_space<semaphore_mem>>) src(%dma_wait3A_58 : memref<10752x128xf32, #tpu.memory_space<hbm>>) dst(%arg10 : memref<128x128xf32, #tpu.memory_space<vmem>>)
      "tpu.region"() ({
        %run_scoped3A = tpu.sem_alloc : memref<!tpu.dma_semaphore, #tpu.memory_space<semaphore_mem>>
        %dma_start3A_75 = arith.constant 0 : i32
        %dma_start3A_76 = tpu.memref_slice %arg9[%mul3A_45, %dma_start3A_75] : memref<40x128xi32, #tpu.memory_space<vmem>> -> memref<1x128xi32, #tpu.memory_space<vmem>>
        %dma_start3A_77 = tpu.memref_squeeze %dma_start3A_76 : memref<1x128xi32, #tpu.memory_space<vmem>> -> memref<128xi32, #tpu.memory_space<vmem>>
        %dma_start3A_78 = arith.constant 0 : i32
        %dma_start3A_79 = arith.constant 0 : i32
        %dma_start3A_80 = tpu.memref_slice %arg12[%dma_start3A_78, %dma_start3A_79] : memref<10752x128xf32, #tpu.memory_space<vmem_shared>> -> memref<10752x128xf32, #tpu.memory_space<vmem_shared>>
        tpu.enqueue_indirect_dma source(%arg10 : memref<128x128xf32, #tpu.memory_space<vmem>>) target(%dma_start3A_80 : memref<10752x128xf32, #tpu.memory_space<vmem_shared>>) offsets(%dma_start3A_77 : memref<128xi32, #tpu.memory_space<vmem>>) semaphore(%run_scoped3A : memref<!tpu.dma_semaphore, #tpu.memory_space<semaphore_mem>>) {add = true}
        %dma_wait3A_81 = arith.constant 0 : i32
        %dma_wait3A_82 = tpu.memref_slice %arg9[%mul3A_45, %dma_wait3A_81] : memref<40x128xi32, #tpu.memory_space<vmem>> -> memref<1x128xi32, #tpu.memory_space<vmem>>
        %dma_wait3A_83 = tpu.memref_squeeze %dma_wait3A_82 : memref<1x128xi32, #tpu.memory_space<vmem>> -> memref<128xi32, #tpu.memory_space<vmem>>
        %dma_wait3A_84 = arith.constant 0 : i32
        %dma_wait3A_85 = arith.constant 0 : i32
        %dma_wait3A_86 = tpu.memref_slice %arg12[%dma_wait3A_84, %dma_wait3A_85] : memref<10752x128xf32, #tpu.memory_space<vmem_shared>> -> memref<10752x128xf32, #tpu.memory_space<vmem_shared>>
        tpu.wait_indirect_dma semaphore(%run_scoped3A : memref<!tpu.dma_semaphore, #tpu.memory_space<semaphore_mem>>) src(%arg10 : memref<128x128xf32, #tpu.memory_space<vmem>>) dst(%dma_wait3A_86 : memref<10752x128xf32, #tpu.memory_space<vmem_shared>>)
        tpu.yield
      }) : () -> ()
      %add3A_59 = arith.constant 2 : i32
      %add3A_60 = arith.addi %mul3A_45, %add3A_59 : i32
      %lt3A = arith.constant 40 : i32
      %lt3A_61 = arith.cmpi slt, %add3A_60, %lt3A : i32
      %convert_element_type3A_62 = arith.extui %lt3A_61 : i1 to i32
      %cond3A_63 = arith.constant 0 : i32
      %cond3A_64 = arith.cmpi ne, %convert_element_type3A_62, %cond3A_63 : i32
      scf.if %cond3A_64 {
        %add3A_75 = arith.constant 2 : i32
        %add3A_76 = arith.addi %mul3A_45, %add3A_75 : i32
        %dma_start3A_77 = arith.constant 0 : i32
        %dma_start3A_78 = tpu.memref_slice %arg8[%add3A_76, %dma_start3A_77] : memref<40x128xi32, #tpu.memory_space<vmem>> -> memref<1x128xi32, #tpu.memory_space<vmem>>
        %dma_start3A_79 = tpu.memref_squeeze %dma_start3A_78 : memref<1x128xi32, #tpu.memory_space<vmem>> -> memref<128xi32, #tpu.memory_space<vmem>>
        %dma_start3A_80 = arith.constant 0 : i32
        %dma_start3A_81 = arith.constant 0 : i32
        %dma_start3A_82 = tpu.memref_slice %arg2[%dma_start3A_80, %dma_start3A_81] : memref<10752x128xf32, #tpu.memory_space<hbm>> -> memref<10752x128xf32, #tpu.memory_space<hbm>>
        tpu.enqueue_indirect_dma source(%dma_start3A_82 : memref<10752x128xf32, #tpu.memory_space<hbm>>) target(%arg10 : memref<128x128xf32, #tpu.memory_space<vmem>>) offsets(%dma_start3A_79 : memref<128xi32, #tpu.memory_space<vmem>>) semaphore(%arg13 : memref<!tpu.dma_semaphore, #tpu.memory_space<semaphore_mem>>)
      } else {
      }
      %add3A_65 = arith.constant 1 : i32
      %add3A_66 = arith.addi %mul3A_45, %add3A_65 : i32
      %dma_wait3A_67 = arith.constant 0 : i32
      %dma_wait3A_68 = tpu.memref_slice %arg8[%add3A_66, %dma_wait3A_67] : memref<40x128xi32, #tpu.memory_space<vmem>> -> memref<1x128xi32, #tpu.memory_space<vmem>>
      %dma_wait3A_69 = tpu.memref_squeeze %dma_wait3A_68 : memref<1x128xi32, #tpu.memory_space<vmem>> -> memref<128xi32, #tpu.memory_space<vmem>>
      %dma_wait3A_70 = arith.constant 0 : i32
      %dma_wait3A_71 = arith.constant 0 : i32
      %dma_wait3A_72 = tpu.memref_slice %arg2[%dma_wait3A_70, %dma_wait3A_71] : memref<10752x128xf32, #tpu.memory_space<hbm>> -> memref<10752x128xf32, #tpu.memory_space<hbm>>
      tpu.wait_indirect_dma semaphore(%arg14 : memref<!tpu.dma_semaphore, #tpu.memory_space<semaphore_mem>>) src(%dma_wait3A_72 : memref<10752x128xf32, #tpu.memory_space<hbm>>) dst(%arg11 : memref<128x128xf32, #tpu.memory_space<vmem>>)
      %add3A_73 = arith.constant 1 : i32
      %add3A_74 = arith.addi %mul3A_45, %add3A_73 : i32
      "tpu.region"() ({
        %run_scoped3A = tpu.sem_alloc : memref<!tpu.dma_semaphore, #tpu.memory_space<semaphore_mem>>
        %dma_start3A_75 = arith.constant 0 : i32
        %dma_start3A_76 = tpu.memref_slice %arg9[%add3A_74, %dma_start3A_75] : memref<40x128xi32, #tpu.memory_space<vmem>> -> memref<1x128xi32, #tpu.memory_space<vmem>>
        %dma_start3A_77 = tpu.memref_squeeze %dma_start3A_76 : memref<1x128xi32, #tpu.memory_space<vmem>> -> memref<128xi32, #tpu.memory_space<vmem>>
        %dma_start3A_78 = arith.constant 0 : i32
        %dma_start3A_79 = arith.constant 0 : i32
        %dma_start3A_80 = tpu.memref_slice %arg12[%dma_start3A_78, %dma_start3A_79] : memref<10752x128xf32, #tpu.memory_space<vmem_shared>> -> memref<10752x128xf32, #tpu.memory_space<vmem_shared>>
        tpu.enqueue_indirect_dma source(%arg11 : memref<128x128xf32, #tpu.memory_space<vmem>>) target(%dma_start3A_80 : memref<10752x128xf32, #tpu.memory_space<vmem_shared>>) offsets(%dma_start3A_77 : memref<128xi32, #tpu.memory_space<vmem>>) semaphore(%run_scoped3A : memref<!tpu.dma_semaphore, #tpu.memory_space<semaphore_mem>>) {add = true}
        %dma_wait3A_81 = arith.constant 0 : i32
        %dma_wait3A_82 = tpu.memref_slice %arg9[%add3A_74, %dma_wait3A_81] : memref<40x128xi32, #tpu.memory_space<vmem>> -> memref<1x128xi32, #tpu.memory_space<vmem>>
        %dma_wait3A_83 = tpu.memref_squeeze %dma_wait3A_82 : memref<1x128xi32, #tpu.memory_space<vmem>> -> memref<128xi32, #tpu.memory_space<vmem>>
        %dma_wait3A_84 = arith.constant 0 : i32
        %dma_wait3A_85 = arith.constant 0 : i32
        %dma_wait3A_86 = tpu.memref_slice %arg12[%dma_wait3A_84, %dma_wait3A_85] : memref<10752x128xf32, #tpu.memory_space<vmem_shared>> -> memref<10752x128xf32, #tpu.memory_space<vmem_shared>>
        tpu.wait_indirect_dma semaphore(%run_scoped3A : memref<!tpu.dma_semaphore, #tpu.memory_space<semaphore_mem>>) src(%arg11 : memref<128x128xf32, #tpu.memory_space<vmem>>) dst(%dma_wait3A_86 : memref<10752x128xf32, #tpu.memory_space<vmem_shared>>)
        tpu.yield
      }) : () -> ()
    }
    %scan3A_34 = arith.constant 20 : i32
    %barrier3A_35 = arith.constant 0 : index
    tpu.barrier barrier_id(%barrier3A_35)
    %eq3A = arith.constant 0 : i32
    %eq3A_36 = arith.cmpi eq, %arg0, %eq3A : i32
    %convert_element_type3A = arith.extui %eq3A_36 : i1 to i32
    %cond3A = arith.constant 0 : i32
    %cond3A_37 = arith.cmpi ne, %convert_element_type3A, %cond3A : i32
    scf.if %cond3A_37 {
      %mul3A_43 = arith.constant 672 : i32
      %mul3A_44 = arith.muli %arg1, %mul3A_43 : i32
      %mul3A_45 = arith.constant 672 : i32
      %mul3A_46 = arith.muli %arg1, %mul3A_45 : i32
      "tpu.region"() ({
        %run_scoped3A = tpu.sem_alloc : memref<!tpu.dma_semaphore, #tpu.memory_space<semaphore_mem>>
        %dma_start3A_47 = arith.constant 0 : i32
        %dma_start3A_48 = tpu.memref_slice %arg6[%mul3A_46, %dma_start3A_47] : memref<10752x128xf32, #tpu.memory_space<hbm>> -> memref<672x128xf32, #tpu.memory_space<hbm>>
        %dma_start3A_49 = arith.constant 0 : i32
        %dma_start3A_50 = tpu.memref_slice %arg12[%mul3A_44, %dma_start3A_49] : memref<10752x128xf32, #tpu.memory_space<vmem_shared>> -> memref<672x128xf32, #tpu.memory_space<vmem_shared>>
        tpu.enqueue_dma source(%dma_start3A_50 : memref<672x128xf32, #tpu.memory_space<vmem_shared>>) target(%dma_start3A_48 : memref<672x128xf32, #tpu.memory_space<hbm>>) target_semaphore(%run_scoped3A : memref<!tpu.dma_semaphore, #tpu.memory_space<semaphore_mem>>)
        %dma_wait3A = arith.constant 0 : i32
        %dma_wait3A_51 = tpu.memref_slice %arg6[%mul3A_46, %dma_wait3A] : memref<10752x128xf32, #tpu.memory_space<hbm>> -> memref<672x128xf32, #tpu.memory_space<hbm>>
        %dma_wait3A_52 = arith.constant 0 : i32
        %dma_wait3A_53 = tpu.memref_slice %arg12[%mul3A_44, %dma_wait3A_52] : memref<10752x128xf32, #tpu.memory_space<vmem_shared>> -> memref<672x128xf32, #tpu.memory_space<vmem_shared>>
        tpu.wait_dma2 semaphore(%run_scoped3A : memref<!tpu.dma_semaphore, #tpu.memory_space<semaphore_mem>>) src(%dma_wait3A_53 : memref<672x128xf32, #tpu.memory_space<vmem_shared>>) dst(%dma_wait3A_51 : memref<672x128xf32, #tpu.memory_space<hbm>>)
        tpu.yield
      }) : () -> ()
    } else {
    }
    %eq3A_38 = arith.constant 1 : i32
    %eq3A_39 = arith.cmpi eq, %arg0, %eq3A_38 : i32
    %convert_element_type3A_40 = arith.extui %eq3A_39 : i1 to i32
    %cond3A_41 = arith.constant 0 : i32
    %cond3A_42 = arith.cmpi ne, %convert_element_type3A_40, %cond3A_41 : i32
    scf.if %cond3A_42 {
      %mul3A_43 = arith.constant 672 : i32
      %mul3A_44 = arith.muli %arg1, %mul3A_43 : i32
      %mul3A_45 = arith.constant 672 : i32
      %mul3A_46 = arith.muli %arg1, %mul3A_45 : i32
      "tpu.region"() ({
        %run_scoped3A = tpu.sem_alloc : memref<!tpu.dma_semaphore, #tpu.memory_space<semaphore_mem>>
        %dma_start3A_47 = arith.constant 0 : i32
        %dma_start3A_48 = tpu.memref_slice %arg7[%mul3A_46, %dma_start3A_47] : memref<10752x128xf32, #tpu.memory_space<hbm>> -> memref<672x128xf32, #tpu.memory_space<hbm>>
        %dma_start3A_49 = arith.constant 0 : i32
        %dma_start3A_50 = tpu.memref_slice %arg12[%mul3A_44, %dma_start3A_49] : memref<10752x128xf32, #tpu.memory_space<vmem_shared>> -> memref<672x128xf32, #tpu.memory_space<vmem_shared>>
        tpu.enqueue_dma source(%dma_start3A_50 : memref<672x128xf32, #tpu.memory_space<vmem_shared>>) target(%dma_start3A_48 : memref<672x128xf32, #tpu.memory_space<hbm>>) target_semaphore(%run_scoped3A : memref<!tpu.dma_semaphore, #tpu.memory_space<semaphore_mem>>)
        %dma_wait3A = arith.constant 0 : i32
        %dma_wait3A_51 = tpu.memref_slice %arg7[%mul3A_46, %dma_wait3A] : memref<10752x128xf32, #tpu.memory_space<hbm>> -> memref<672x128xf32, #tpu.memory_space<hbm>>
        %dma_wait3A_52 = arith.constant 0 : i32
        %dma_wait3A_53 = tpu.memref_slice %arg12[%mul3A_44, %dma_wait3A_52] : memref<10752x128xf32, #tpu.memory_space<vmem_shared>> -> memref<672x128xf32, #tpu.memory_space<vmem_shared>>
        tpu.wait_dma2 semaphore(%run_scoped3A : memref<!tpu.dma_semaphore, #tpu.memory_space<semaphore_mem>>) src(%dma_wait3A_53 : memref<672x128xf32, #tpu.memory_space<vmem_shared>>) dst(%dma_wait3A_51 : memref<672x128xf32, #tpu.memory_space<hbm>>)
        tpu.yield
      }) : () -> ()
    } else {
    }
    return
  }
}

module attributes {stable_mosaic.version = 14 : i64} {
  func.func @_stats_body(%arg0: memref<10752x1xi32, #tpu.memory_space<vmem>>, %arg1: memref<1x256xi32, #tpu.memory_space<vmem>>, %arg2: memref<1x256xi32, #tpu.memory_space<vmem>>, %arg3: memref<1x256xi32, #tpu.memory_space<vmem>>, %arg4: memref<1x256xi32, #tpu.memory_space<vmem>>, %arg5: memref<1x256xf32, #tpu.memory_space<vmem>>, %arg6: memref<1x256xf32, #tpu.memory_space<vmem>>) attributes {dimension_semantics = [], scalar_prefetch = 0 : i64, scratch_operands = 0 : i64, tpu.core_type = #tpu.core_type<tc>} {
    %iota3A = tpu.iota {dimensions = array<i32: 1>} : vector<1x256xi32>
    %broadcast_in_dim3A = arith.constant 0 : i32
    %broadcast_in_dim3A_0 = vector.broadcast %broadcast_in_dim3A : i32 to vector<1x256xi32>
    %scan3A = arith.constant 0 : i32
    %scan3A_1 = arith.constant 42 : i32
    %scan3A_2 = arith.addi %scan3A, %scan3A_1 : i32
    %scan3A_3 = arith.constant 1 : i32
    %scan3A_4:2 = scf.for %scan3A_49 = %scan3A to %scan3A_2 step %scan3A_3 iter_args(%scan3A_50 = %broadcast_in_dim3A_0, %scan3A_51 = %broadcast_in_dim3A_0) -> (vector<1x256xi32>, vector<1x256xi32>)  : i32 {
      %mul3A_52 = arith.constant 256 : i32
      %mul3A_53 = arith.muli %scan3A_49, %mul3A_52 : i32
      %get3A = arith.index_cast %mul3A_53 : i32 to index
      %get3A_54 = arith.constant 0 : index
      %get3A_55 = vector.load %arg0[%get3A, %get3A_54] : memref<10752x1xi32, #tpu.memory_space<vmem>>, vector<256x1xi32>
      %eq3A = vector.broadcast %get3A_55 : vector<256x1xi32> to vector<256x256xi32>
      %eq3A_56 = vector.broadcast %iota3A : vector<1x256xi32> to vector<256x256xi32>
      %eq3A_57 = arith.cmpi eq, %eq3A, %eq3A_56 : vector<256x256xi32>
      %convert_element_type3A_58 = arith.extui %eq3A_57 : vector<256x256xi1> to vector<256x256xi32>
      %reduce_sum3A = arith.constant dense<0> : vector<256xi32>
      %reduce_sum3A_59 = vector.multi_reduction <add>, %convert_element_type3A_58, %reduce_sum3A [0] : vector<256x256xi32> to vector<256xi32>
      %broadcast_in_dim3A_60 = vector.shape_cast %reduce_sum3A_59 : vector<256xi32> to vector<1x256xi32>
      %add3A_61 = arith.addi %scan3A_50, %broadcast_in_dim3A_60 : vector<1x256xi32>
      %lt3A = vector.broadcast %get3A_55 : vector<256x1xi32> to vector<256x256xi32>
      %lt3A_62 = vector.broadcast %iota3A : vector<1x256xi32> to vector<256x256xi32>
      %lt3A_63 = arith.cmpi slt, %lt3A, %lt3A_62 : vector<256x256xi32>
      %convert_element_type3A_64 = arith.extui %lt3A_63 : vector<256x256xi1> to vector<256x256xi32>
      %reduce_sum3A_65 = arith.constant dense<0> : vector<256xi32>
      %reduce_sum3A_66 = vector.multi_reduction <add>, %convert_element_type3A_64, %reduce_sum3A_65 [0] : vector<256x256xi32> to vector<256xi32>
      %broadcast_in_dim3A_67 = vector.shape_cast %reduce_sum3A_66 : vector<256xi32> to vector<1x256xi32>
      %add3A_68 = arith.addi %scan3A_51, %broadcast_in_dim3A_67 : vector<1x256xi32>
      scf.yield %add3A_61, %add3A_68 : vector<1x256xi32>, vector<1x256xi32>
    }
    %scan3A_5 = arith.constant 42 : i32
    %mul3A = arith.constant 4 : i32
    %mul3A_6 = vector.broadcast %mul3A : i32 to vector<1x256xi32>
    %mul3A_7 = arith.muli %mul3A_6, %scan3A_4#0 : vector<1x256xi32>
    %add3A = arith.constant 4 : i32
    %add3A_8 = vector.broadcast %add3A : i32 to vector<1x256xi32>
    %add3A_9 = arith.addi %mul3A_7, %add3A_8 : vector<1x256xi32>
    %convert_element_type3A = arith.sitofp %add3A_9 : vector<1x256xi32> to vector<1x256xf32>
    %mul3A_10 = arith.constant 2.000000e-01 : f32
    %mul3A_11 = vector.broadcast %mul3A_10 : f32 to vector<1x256xf32>
    %mul3A_12 = arith.mulf %convert_element_type3A, %mul3A_11 : vector<1x256xf32>
    %add3A_13 = arith.constant 1.000000e-03 : f32
    %add3A_14 = vector.broadcast %add3A_13 : f32 to vector<1x256xf32>
    %add3A_15 = arith.addf %mul3A_12, %add3A_14 : vector<1x256xf32>
    %floor3A = math.floor %add3A_15 : vector<1x256xf32>
    %convert_element_type3A_16 = arith.fptosi %floor3A : vector<1x256xf32> to vector<1x256xi32>
    %mul3A_17 = arith.constant 4 : i32
    %mul3A_18 = vector.broadcast %mul3A_17 : i32 to vector<1x256xi32>
    %mul3A_19 = arith.muli %mul3A_18, %convert_element_type3A_16 : vector<1x256xi32>
    %add3A_20 = arith.constant 4 : i32
    %add3A_21 = vector.broadcast %add3A_20 : i32 to vector<1x256xi32>
    %add3A_22 = arith.addi %mul3A_19, %add3A_21 : vector<1x256xi32>
    %convert_element_type3A_23 = arith.sitofp %add3A_22 : vector<1x256xi32> to vector<1x256xf32>
    %mul3A_24 = arith.constant 2.000000e-01 : f32
    %mul3A_25 = vector.broadcast %mul3A_24 : f32 to vector<1x256xf32>
    %mul3A_26 = arith.mulf %convert_element_type3A_23, %mul3A_25 : vector<1x256xf32>
    %add3A_27 = arith.constant 1.000000e-03 : f32
    %add3A_28 = vector.broadcast %add3A_27 : f32 to vector<1x256xf32>
    %add3A_29 = arith.addf %mul3A_26, %add3A_28 : vector<1x256xf32>
    %floor3A_30 = math.floor %add3A_29 : vector<1x256xf32>
    %convert_element_type3A_31 = arith.fptosi %floor3A_30 : vector<1x256xf32> to vector<1x256xi32>
    %swap3A = arith.constant 0 : index
    %swap3A_32 = arith.constant 0 : index
    %swap3A_33 = vector.load %arg1[%swap3A, %swap3A_32] : memref<1x256xi32, #tpu.memory_space<vmem>>, vector<1x256xi32>
    tpu.vector_store %arg1[%swap3A, %swap3A_32], %scan3A_4#0 {strides = array<i32>} : memref<1x256xi32, #tpu.memory_space<vmem>>, vector<1x256xi32>,
    %swap3A_34 = arith.constant 0 : index
    %swap3A_35 = arith.constant 0 : index
    %swap3A_36 = vector.load %arg2[%swap3A_34, %swap3A_35] : memref<1x256xi32, #tpu.memory_space<vmem>>, vector<1x256xi32>
    tpu.vector_store %arg2[%swap3A_34, %swap3A_35], %scan3A_4#1 {strides = array<i32>} : memref<1x256xi32, #tpu.memory_space<vmem>>, vector<1x256xi32>,
    %swap3A_37 = arith.constant 0 : index
    %swap3A_38 = arith.constant 0 : index
    %swap3A_39 = vector.load %arg3[%swap3A_37, %swap3A_38] : memref<1x256xi32, #tpu.memory_space<vmem>>, vector<1x256xi32>
    tpu.vector_store %arg3[%swap3A_37, %swap3A_38], %convert_element_type3A_16 {strides = array<i32>} : memref<1x256xi32, #tpu.memory_space<vmem>>, vector<1x256xi32>,
    %swap3A_40 = arith.constant 0 : index
    %swap3A_41 = arith.constant 0 : index
    %swap3A_42 = vector.load %arg4[%swap3A_40, %swap3A_41] : memref<1x256xi32, #tpu.memory_space<vmem>>, vector<1x256xi32>
    tpu.vector_store %arg4[%swap3A_40, %swap3A_41], %convert_element_type3A_31 {strides = array<i32>} : memref<1x256xi32, #tpu.memory_space<vmem>>, vector<1x256xi32>,
    %swap3A_43 = arith.constant 0 : index
    %swap3A_44 = arith.constant 0 : index
    %swap3A_45 = vector.load %arg5[%swap3A_43, %swap3A_44] : memref<1x256xf32, #tpu.memory_space<vmem>>, vector<1x256xf32>
    tpu.vector_store %arg5[%swap3A_43, %swap3A_44], %floor3A {strides = array<i32>} : memref<1x256xf32, #tpu.memory_space<vmem>>, vector<1x256xf32>,
    %swap3A_46 = arith.constant 0 : index
    %swap3A_47 = arith.constant 0 : index
    %swap3A_48 = vector.load %arg6[%swap3A_46, %swap3A_47] : memref<1x256xf32, #tpu.memory_space<vmem>>, vector<1x256xf32>
    tpu.vector_store %arg6[%swap3A_46, %swap3A_47], %floor3A_30 {strides = array<i32>} : memref<1x256xf32, #tpu.memory_space<vmem>>, vector<1x256xf32>,
    return
  }
}

module attributes {stable_mosaic.version = 14 : i64} {
  func.func @_layer_body(%arg0: i32, %arg1: memref<512x128xf32, #tpu.memory_space<vmem>>, %arg2: memref<512x128xf32, #tpu.memory_space<vmem>>, %arg3: memref<512x128xf32, #tpu.memory_space<vmem>>, %arg4: memref<512x1xf32, #tpu.memory_space<vmem>>, %arg5: memref<128x128xf32, #tpu.memory_space<vmem>>, %arg6: memref<1x128xf32, #tpu.memory_space<vmem>>, %arg7: memref<128x128xf32, #tpu.memory_space<vmem>>, %arg8: memref<1x128xf32, #tpu.memory_space<vmem>>, %arg9: memref<512x128xf32, #tpu.memory_space<vmem>>, %arg10: memref<512x1xf32, #tpu.memory_space<vmem>>) attributes {dimension_semantics = [#tpu.dimension_semantics<arbitrary>], iteration_bounds = array<i64: 21>, scalar_prefetch = 0 : i64, scratch_operands = 0 : i64, tpu.core_type = #tpu.core_type<tc>, window_params = [{transform_indices = @transform_0, window_bounds = array<i64: 512, 128>}, {transform_indices = @transform_1, window_bounds = array<i64: 512, 128>}, {transform_indices = @transform_2, window_bounds = array<i64: 512, 128>}, {transform_indices = @transform_3, window_bounds = array<i64: 512, 1>}, {pipeline_mode = #tpu.pipeline_mode<synchronous>, transform_indices = @transform_4, window_bounds = array<i64: 128, 128>}, {pipeline_mode = #tpu.pipeline_mode<synchronous>, transform_indices = @transform_5, window_bounds = array<i64: 1, 128>}, {pipeline_mode = #tpu.pipeline_mode<synchronous>, transform_indices = @transform_6, window_bounds = array<i64: 128, 128>}, {pipeline_mode = #tpu.pipeline_mode<synchronous>, transform_indices = @transform_7, window_bounds = array<i64: 1, 128>}, {transform_indices = @transform_8, window_bounds = array<i64: 512, 128>}, {transform_indices = @transform_9, window_bounds = array<i64: 512, 1>}]} {
    %get3A = arith.constant 0 : index
    %get3A_0 = arith.constant 0 : index
    %get3A_1 = vector.load %arg1[%get3A, %get3A_0] : memref<512x128xf32, #tpu.memory_space<vmem>>, vector<512x128xf32>
    %get3A_2 = arith.constant 0 : index
    %get3A_3 = arith.constant 0 : index
    %get3A_4 = vector.load %arg2[%get3A_2, %get3A_3] : memref<512x128xf32, #tpu.memory_space<vmem>>, vector<512x128xf32>
    %add3A = arith.addf %get3A_1, %get3A_4 : vector<512x128xf32>
    %get3A_5 = arith.constant 0 : index
    %get3A_6 = arith.constant 0 : index
    %get3A_7 = vector.load %arg4[%get3A_5, %get3A_6] : memref<512x1xf32, #tpu.memory_space<vmem>>, vector<512x1xf32>
    %mul3A = vector.broadcast %get3A_7 : vector<512x1xf32> to vector<512x128xf32>
    %mul3A_8 = arith.mulf %add3A, %mul3A : vector<512x128xf32>
    %get3A_9 = arith.constant 0 : index
    %get3A_10 = arith.constant 0 : index
    %get3A_11 = vector.load %arg5[%get3A_9, %get3A_10] : memref<128x128xf32, #tpu.memory_space<vmem>>, vector<128x128xf32>
    %dot_general3A = arith.constant dense<0.000000e+00> : vector<512x128xf32>
    %dot_general3A_12 = tpu.matmul %mul3A_8, %get3A_11, %dot_general3A {dimension_numbers = #tpu.dot_dimension_numbers<[1], [0], [0], [1], [0, 0, 1, 1], [], []>, precision = #tpu.contract_precision<fp32>, transpose_lhs_hint = false} : vector<512x128xf32>, vector<128x128xf32>, vector<512x128xf32> -> vector<512x128xf32>
    %get3A_13 = arith.constant 0 : index
    %get3A_14 = arith.constant 0 : index
    %get3A_15 = vector.load %arg3[%get3A_13, %get3A_14] : memref<512x128xf32, #tpu.memory_space<vmem>>, vector<512x128xf32>
    %get3A_16 = arith.constant 0 : index
    %get3A_17 = arith.constant 0 : index
    %get3A_18 = vector.load %arg7[%get3A_16, %get3A_17] : memref<128x128xf32, #tpu.memory_space<vmem>>, vector<128x128xf32>
    %dot_general3A_19 = arith.constant dense<0.000000e+00> : vector<512x128xf32>
    %dot_general3A_20 = tpu.matmul %get3A_15, %get3A_18, %dot_general3A_19 {dimension_numbers = #tpu.dot_dimension_numbers<[1], [0], [0], [1], [0, 0, 1, 1], [], []>, precision = #tpu.contract_precision<fp32>, transpose_lhs_hint = false} : vector<512x128xf32>, vector<128x128xf32>, vector<512x128xf32> -> vector<512x128xf32>
    %add3A_21 = arith.addf %dot_general3A_12, %dot_general3A_20 : vector<512x128xf32>
    %get3A_22 = arith.constant 0 : index
    %get3A_23 = arith.constant 0 : index
    %get3A_24 = vector.load %arg6[%get3A_22, %get3A_23] : memref<1x128xf32, #tpu.memory_space<vmem>>, vector<1x128xf32>
    %add3A_25 = vector.broadcast %get3A_24 : vector<1x128xf32> to vector<512x128xf32>
    %add3A_26 = arith.addf %add3A_21, %add3A_25 : vector<512x128xf32>
    %max3A = arith.constant 0.000000e+00 : f32
    %max3A_27 = vector.broadcast %max3A : f32 to vector<512x128xf32>
    %max3A_28 = arith.maximumf %add3A_26, %max3A_27 : vector<512x128xf32>
    %get3A_29 = arith.constant 0 : index
    %get3A_30 = arith.constant 0 : index
    %get3A_31 = vector.load %arg8[%get3A_29, %get3A_30] : memref<1x128xf32, #tpu.memory_space<vmem>>, vector<1x128xf32>
    %mul3A_32 = arith.mulf %get3A_31, %get3A_31 : vector<1x128xf32>
    %reduce_sum3A = vector.shape_cast %mul3A_32 : vector<1x128xf32> to vector<1x1x128xf32>
    %reduce_sum3A_33 = arith.constant dense<0.000000e+00> : vector<1xf32>
    %reduce_sum3A_34 = vector.multi_reduction <add>, %reduce_sum3A, %reduce_sum3A_33 [1, 2] : vector<1x1x128xf32> to vector<1xf32>
    %reduce_sum3A_35 = vector.shape_cast %reduce_sum3A_34 : vector<1xf32> to vector<1x1x1xf32>
    %reduce_sum3A_36 = vector.extract %reduce_sum3A_35[0, 0, 0] : f32 from vector<1x1x1xf32>
    %sqrt3A = math.sqrt %reduce_sum3A_36 : f32
    %add3A_37 = arith.constant 1.000000e-16 : f32
    %add3A_38 = arith.addf %sqrt3A, %add3A_37 : f32
    %dot_general3A_39 = arith.constant dense<0.000000e+00> : vector<512x1xf32>
    %dot_general3A_40 = tpu.matmul %max3A_28, %get3A_31, %dot_general3A_39 {dimension_numbers = #tpu.dot_dimension_numbers<[1], [1], [0], [0], [0, 0, 1, 0], [], []>, precision = #tpu.contract_precision<fp32>, transpose_lhs_hint = false} : vector<512x128xf32>, vector<1x128xf32>, vector<512x1xf32> -> vector<512x1xf32>
    %swap3A = arith.constant 0 : index
    %swap3A_41 = arith.constant 0 : index
    %swap3A_42 = vector.load %arg9[%swap3A, %swap3A_41] : memref<512x128xf32, #tpu.memory_space<vmem>>, vector<512x128xf32>
    tpu.vector_store %arg9[%swap3A, %swap3A_41], %max3A_28 {strides = array<i32>} : memref<512x128xf32, #tpu.memory_space<vmem>>, vector<512x128xf32>,
    %div3A = vector.broadcast %add3A_38 : f32 to vector<512x1xf32>
    %div3A_43 = arith.divf %dot_general3A_40, %div3A : vector<512x1xf32>
    %tanh3A = math.tanh %div3A_43 : vector<512x1xf32>
    %swap3A_44 = arith.constant 0 : index
    %swap3A_45 = arith.constant 0 : index
    %swap3A_46 = vector.load %arg10[%swap3A_44, %swap3A_45] : memref<512x1xf32, #tpu.memory_space<vmem>>, vector<512x1xf32>
    tpu.vector_store %arg10[%swap3A_44, %swap3A_45], %tanh3A {strides = array<i32>} : memref<512x1xf32, #tpu.memory_space<vmem>>, vector<512x1xf32>,
    return
  }
  func.func @transform_0(%arg0: i32) -> (i32, i32) {
    %c0_i32 = arith.constant 0 : i32
    %c0_i32_0 = arith.constant 0 : i32
    return %arg0, %c0_i32 : i32, i32
  }
  func.func @transform_1(%arg0: i32) -> (i32, i32) {
    %c0_i32 = arith.constant 0 : i32
    %c0_i32_0 = arith.constant 0 : i32
    return %arg0, %c0_i32 : i32, i32
  }
  func.func @transform_2(%arg0: i32) -> (i32, i32) {
    %c0_i32 = arith.constant 0 : i32
    %c0_i32_0 = arith.constant 0 : i32
    return %arg0, %c0_i32 : i32, i32
  }
  func.func @transform_3(%arg0: i32) -> (i32, i32) {
    %c0_i32 = arith.constant 0 : i32
    %c0_i32_0 = arith.constant 0 : i32
    return %arg0, %c0_i32 : i32, i32
  }
  func.func @transform_4(%arg0: i32) -> (i32, i32) {
    %c0_i32 = arith.constant 0 : i32
    %c0_i32_0 = arith.constant 0 : i32
    %c0_i32_1 = arith.constant 0 : i32
    return %c0_i32, %c0_i32_0 : i32, i32
  }
  func.func @transform_5(%arg0: i32) -> (i32, i32) {
    %c0_i32 = arith.constant 0 : i32
    %c0_i32_0 = arith.constant 0 : i32
    %c0_i32_1 = arith.constant 0 : i32
    return %c0_i32, %c0_i32_0 : i32, i32
  }
  func.func @transform_6(%arg0: i32) -> (i32, i32) {
    %c0_i32 = arith.constant 0 : i32
    %c0_i32_0 = arith.constant 0 : i32
    %c0_i32_1 = arith.constant 0 : i32
    return %c0_i32, %c0_i32_0 : i32, i32
  }
  func.func @transform_7(%arg0: i32) -> (i32, i32) {
    %c0_i32 = arith.constant 0 : i32
    %c0_i32_0 = arith.constant 0 : i32
    %c0_i32_1 = arith.constant 0 : i32
    return %c0_i32, %c0_i32_0 : i32, i32
  }
  func.func @transform_8(%arg0: i32) -> (i32, i32) {
    %c0_i32 = arith.constant 0 : i32
    %c0_i32_0 = arith.constant 0 : i32
    return %arg0, %c0_i32 : i32, i32
  }
  func.func @transform_9(%arg0: i32) -> (i32, i32) {
    %c0_i32 = arith.constant 0 : i32
    %c0_i32_0 = arith.constant 0 : i32
    return %arg0, %c0_i32 : i32, i32
  }
}

module attributes {stable_mosaic.version = 14 : i64} {
  func.func @_rank_body(%arg0: i32, %arg1: memref<10752xi32, #tpu.memory_space<smem>>, %arg2: memref<256xi32, #tpu.memory_space<smem>>, %arg3: memref<256xi32, #tpu.memory_space<smem>>, %arg4: memref<256x1xi32, #tpu.memory_space<vmem>>, %arg5: memref<256x1xf32, #tpu.memory_space<vmem>>, %arg6: memref<256x1xf32, #tpu.memory_space<vmem>>, %arg7: memref<256x1xf32, #tpu.memory_space<vmem>>, %arg8: memref<42x256xf32, #tpu.memory_space<vmem>>, %arg9: memref<42x256xi32, #tpu.memory_space<vmem>>, %arg10: memref<42x256xf32, #tpu.memory_space<vmem>>, %arg11: memref<42x256xf32, #tpu.memory_space<vmem>>, %arg12: memref<256x1xf32, #tpu.memory_space<vmem>>, %arg13: memref<256x128xf32, #tpu.memory_space<vmem>>, %arg14: memref<256x1xf32, #tpu.memory_space<vmem>>, %arg15: memref<256x128xf32, #tpu.memory_space<vmem>>) attributes {dimension_semantics = [#tpu.dimension_semantics<arbitrary>], iteration_bounds = array<i64: 42>, scalar_prefetch = 3 : i64, scratch_operands = 0 : i64, tpu.core_type = #tpu.core_type<tc>, window_params = [{transform_indices = @transform_0, window_bounds = array<i64: 256, 1>}, {transform_indices = @transform_1, window_bounds = array<i64: 256, 1>}, {transform_indices = @transform_2, window_bounds = array<i64: 256, 1>}, {transform_indices = @transform_3, window_bounds = array<i64: 256, 1>}, {pipeline_mode = #tpu.pipeline_mode<synchronous>, transform_indices = @transform_4, window_bounds = array<i64: 42, 256>}, {pipeline_mode = #tpu.pipeline_mode<synchronous>, transform_indices = @transform_5, window_bounds = array<i64: 42, 256>}, {pipeline_mode = #tpu.pipeline_mode<synchronous>, transform_indices = @transform_6, window_bounds = array<i64: 42, 256>}, {pipeline_mode = #tpu.pipeline_mode<synchronous>, transform_indices = @transform_7, window_bounds = array<i64: 42, 256>}, {pipeline_mode = #tpu.pipeline_mode<synchronous>, transform_indices = @transform_8, window_bounds = array<i64: 256, 1>}, {transform_indices = @transform_9, window_bounds = array<i64: 256, 128>}, {transform_indices = @transform_10, window_bounds = array<i64: 256, 1>}, {transform_indices = @transform_11, window_bounds = array<i64: 256, 128>}]} {
    %mul3A = arith.constant 256 : i32
    %mul3A_0 = arith.muli %arg0, %mul3A : i32
    %get3A = arith.index_cast %mul3A_0 : i32 to index
    %get3A_1 = memref.load %arg1[%get3A] : memref<10752xi32, #tpu.memory_space<smem>>
    %add3A = arith.constant 256 : i32
    %add3A_2 = arith.addi %mul3A_0, %add3A : i32
    %sub3A = arith.constant 1 : i32
    %sub3A_3 = arith.subi %add3A_2, %sub3A : i32
    %get3A_4 = arith.index_cast %sub3A_3 : i32 to index
    %get3A_5 = memref.load %arg1[%get3A_4] : memref<10752xi32, #tpu.memory_space<smem>>
    %get3A_6 = arith.index_cast %get3A_1 : i32 to index
    %get3A_7 = memref.load %arg2[%get3A_6] : memref<256xi32, #tpu.memory_space<smem>>
    %get3A_8 = arith.index_cast %get3A_5 : i32 to index
    %get3A_9 = memref.load %arg2[%get3A_8] : memref<256xi32, #tpu.memory_space<smem>>
    %get3A_10 = arith.index_cast %get3A_5 : i32 to index
    %get3A_11 = memref.load %arg3[%get3A_10] : memref<256xi32, #tpu.memory_space<smem>>
    %add3A_12 = arith.addi %get3A_9, %get3A_11 : i32
    %shift_right_arithmetic3A = arith.constant 8 : i32
    %shift_right_arithmetic3A_13 = arith.shrsi %get3A_7, %shift_right_arithmetic3A : i32
    %add3A_14 = arith.constant 256 : i32
    %add3A_15 = arith.addi %add3A_12, %add3A_14 : i32
    %sub3A_16 = arith.constant 1 : i32
    %sub3A_17 = arith.subi %add3A_15, %sub3A_16 : i32
    %shift_right_arithmetic3A_18 = arith.constant 8 : i32
    %shift_right_arithmetic3A_19 = arith.shrsi %sub3A_17, %shift_right_arithmetic3A_18 : i32
    %get3A_20 = arith.constant 0 : index
    %get3A_21 = arith.constant 0 : index
    %get3A_22 = vector.load %arg5[%get3A_20, %get3A_21] : memref<256x1xf32, #tpu.memory_space<vmem>>, vector<256x1xf32>
    %get3A_23 = arith.constant 0 : index
    %get3A_24 = arith.constant 0 : index
    %get3A_25 = vector.load %arg6[%get3A_23, %get3A_24] : memref<256x1xf32, #tpu.memory_space<vmem>>, vector<256x1xf32>
    %get3A_26 = arith.constant 0 : index
    %get3A_27 = arith.constant 0 : index
    %get3A_28 = vector.load %arg4[%get3A_26, %get3A_27] : memref<256x1xi32, #tpu.memory_space<vmem>>, vector<256x1xi32>
    %get3A_29 = arith.constant 0 : index
    %get3A_30 = arith.constant 0 : index
    %get3A_31 = vector.load %arg7[%get3A_29, %get3A_30] : memref<256x1xf32, #tpu.memory_space<vmem>>, vector<256x1xf32>
    %iota3A = tpu.iota {dimensions = array<i32: 0>} : vector<256x1xi32>
    %add3A_32 = vector.broadcast %mul3A_0 : i32 to vector<256x1xi32>
    %add3A_33 = arith.addi %add3A_32, %iota3A : vector<256x1xi32>
    %broadcast_in_dim3A = arith.constant 0 : i32
    %broadcast_in_dim3A_34 = vector.broadcast %broadcast_in_dim3A : i32 to vector<256x1xi32>
    %while3A = arith.subi %shift_right_arithmetic3A_19, %shift_right_arithmetic3A_13 : i32
    %while3A_35 = arith.addi %shift_right_arithmetic3A_13, %while3A : i32
    %while3A_36 = arith.constant 1 : i32
    %while3A_37 = arith.divsi %while3A, %while3A_36 : i32
    %while3A_38 = arith.muli %while3A_37, %while3A_36 : i32
    %while3A_39 = arith.addi %shift_right_arithmetic3A_13, %while3A_38 : i32
    %while3A_40 = arith.constant 1 : i32
    %while3A_41 = scf.for %while3A_70 = %shift_right_arithmetic3A_13 to %while3A_39 step %while3A_40 iter_args(%while3A_71 = %broadcast_in_dim3A_34) -> (vector<256x1xi32>)  : i32 {
      %get3A_72 = arith.index_cast %while3A_70 : i32 to index
      %get3A_73 = arith.constant 0 : index
      %get3A_74 = vector.load %arg8[%get3A_72, %get3A_73] : memref<42x256xf32, #tpu.memory_space<vmem>>, vector<1x256xf32>
      %get3A_75 = arith.index_cast %while3A_70 : i32 to index
      %get3A_76 = arith.constant 0 : index
      %get3A_77 = vector.load %arg9[%get3A_75, %get3A_76] : memref<42x256xi32, #tpu.memory_space<vmem>>, vector<1x256xi32>
      %get3A_78 = arith.index_cast %while3A_70 : i32 to index
      %get3A_79 = arith.constant 0 : index
      %get3A_80 = vector.load %arg10[%get3A_78, %get3A_79] : memref<42x256xf32, #tpu.memory_space<vmem>>, vector<1x256xf32>
      %get3A_81 = arith.index_cast %while3A_70 : i32 to index
      %get3A_82 = arith.constant 0 : index
      %get3A_83 = vector.load %arg11[%get3A_81, %get3A_82] : memref<42x256xf32, #tpu.memory_space<vmem>>, vector<1x256xf32>
      %mul3A_84 = arith.constant 256 : i32
      %mul3A_85 = arith.muli %while3A_70, %mul3A_84 : i32
      %iota3A_86 = tpu.iota {dimensions = array<i32: 1>} : vector<1x256xi32>
      %add3A_87 = vector.broadcast %mul3A_85 : i32 to vector<1x256xi32>
      %add3A_88 = arith.addi %add3A_87, %iota3A_86 : vector<1x256xi32>
      %gt3A_89 = vector.broadcast %get3A_74 : vector<1x256xf32> to vector<256x256xf32>
      %gt3A_90 = vector.broadcast %get3A_22 : vector<256x1xf32> to vector<256x256xf32>
      %gt3A_91 = arith.cmpf ogt, %gt3A_89, %gt3A_90 : vector<256x256xf32>
      %eq3A_92 = vector.broadcast %get3A_74 : vector<1x256xf32> to vector<256x256xf32>
      %eq3A_93 = vector.broadcast %get3A_22 : vector<256x1xf32> to vector<256x256xf32>
      %eq3A_94 = arith.cmpf oeq, %eq3A_92, %eq3A_93 : vector<256x256xf32>
      %gt3A_95 = vector.broadcast %get3A_80 : vector<1x256xf32> to vector<256x256xf32>
      %gt3A_96 = vector.broadcast %get3A_25 : vector<256x1xf32> to vector<256x256xf32>
      %gt3A_97 = arith.cmpf ogt, %gt3A_95, %gt3A_96 : vector<256x256xf32>
      %eq3A_98 = vector.broadcast %get3A_80 : vector<1x256xf32> to vector<256x256xf32>
      %eq3A_99 = vector.broadcast %get3A_25 : vector<256x1xf32> to vector<256x256xf32>
      %eq3A_100 = arith.cmpf oeq, %eq3A_98, %eq3A_99 : vector<256x256xf32>
      %lt3A_101 = vector.broadcast %add3A_88 : vector<1x256xi32> to vector<256x256xi32>
      %lt3A_102 = vector.broadcast %add3A_33 : vector<256x1xi32> to vector<256x256xi32>
      %lt3A_103 = arith.cmpi slt, %lt3A_101, %lt3A_102 : vector<256x256xi32>
      %and3A_104 = arith.andi %eq3A_100, %lt3A_103 : vector<256x256xi1>
      %or3A = arith.ori %gt3A_97, %and3A_104 : vector<256x256xi1>
      %and3A_105 = arith.andi %eq3A_94, %or3A : vector<256x256xi1>
      %or3A_106 = arith.ori %gt3A_91, %and3A_105 : vector<256x256xi1>
      %eq3A_107 = vector.broadcast %get3A_77 : vector<1x256xi32> to vector<256x256xi32>
      %eq3A_108 = vector.broadcast %get3A_28 : vector<256x1xi32> to vector<256x256xi32>
      %eq3A_109 = arith.cmpi eq, %eq3A_107, %eq3A_108 : vector<256x256xi32>
      %gt3A_110 = arith.constant 0.000000e+00 : f32
      %gt3A_111 = vector.broadcast %gt3A_110 : f32 to vector<1x256xf32>
      %gt3A_112 = arith.cmpf ogt, %get3A_83, %gt3A_111 : vector<1x256xf32>
      %and3A_113 = vector.broadcast %gt3A_112 : vector<1x256xi1> to vector<256x256xi1>
      %and3A_114 = arith.andi %eq3A_109, %and3A_113 : vector<256x256xi1>
      %and3A_115 = arith.andi %and3A_114, %or3A_106 : vector<256x256xi1>
      %convert_element_type3A_116 = arith.extui %and3A_115 : vector<256x256xi1> to vector<256x256xi32>
      %reduce_sum3A = arith.constant dense<0> : vector<256xi32>
      %reduce_sum3A_117 = vector.multi_reduction <add>, %convert_element_type3A_116, %reduce_sum3A [1] : vector<256x256xi32> to vector<256xi32>
      %broadcast_in_dim3A_118 = vector.shape_cast %reduce_sum3A_117 : vector<256xi32> to vector<256x1xi32>
      %add3A_119 = arith.addi %while3A_71, %broadcast_in_dim3A_118 : vector<256x1xi32>
      scf.yield %add3A_119 : vector<256x1xi32>
    }
    %while3A_42 = arith.constant 1 : i32
    %while3A_43 = scf.for %while3A_70 = %while3A_39 to %while3A_35 step %while3A_42 iter_args(%while3A_71 = %while3A_41) -> (vector<256x1xi32>)  : i32 {
      %get3A_72 = arith.index_cast %while3A_70 : i32 to index
      %get3A_73 = arith.constant 0 : index
      %get3A_74 = vector.load %arg8[%get3A_72, %get3A_73] : memref<42x256xf32, #tpu.memory_space<vmem>>, vector<1x256xf32>
      %get3A_75 = arith.index_cast %while3A_70 : i32 to index
      %get3A_76 = arith.constant 0 : index
      %get3A_77 = vector.load %arg9[%get3A_75, %get3A_76] : memref<42x256xi32, #tpu.memory_space<vmem>>, vector<1x256xi32>
      %get3A_78 = arith.index_cast %while3A_70 : i32 to index
      %get3A_79 = arith.constant 0 : index
      %get3A_80 = vector.load %arg10[%get3A_78, %get3A_79] : memref<42x256xf32, #tpu.memory_space<vmem>>, vector<1x256xf32>
      %get3A_81 = arith.index_cast %while3A_70 : i32 to index
      %get3A_82 = arith.constant 0 : index
      %get3A_83 = vector.load %arg11[%get3A_81, %get3A_82] : memref<42x256xf32, #tpu.memory_space<vmem>>, vector<1x256xf32>
      %mul3A_84 = arith.constant 256 : i32
      %mul3A_85 = arith.muli %while3A_70, %mul3A_84 : i32
      %iota3A_86 = tpu.iota {dimensions = array<i32: 1>} : vector<1x256xi32>
      %add3A_87 = vector.broadcast %mul3A_85 : i32 to vector<1x256xi32>
      %add3A_88 = arith.addi %add3A_87, %iota3A_86 : vector<1x256xi32>
      %gt3A_89 = vector.broadcast %get3A_74 : vector<1x256xf32> to vector<256x256xf32>
      %gt3A_90 = vector.broadcast %get3A_22 : vector<256x1xf32> to vector<256x256xf32>
      %gt3A_91 = arith.cmpf ogt, %gt3A_89, %gt3A_90 : vector<256x256xf32>
      %eq3A_92 = vector.broadcast %get3A_74 : vector<1x256xf32> to vector<256x256xf32>
      %eq3A_93 = vector.broadcast %get3A_22 : vector<256x1xf32> to vector<256x256xf32>
      %eq3A_94 = arith.cmpf oeq, %eq3A_92, %eq3A_93 : vector<256x256xf32>
      %gt3A_95 = vector.broadcast %get3A_80 : vector<1x256xf32> to vector<256x256xf32>
      %gt3A_96 = vector.broadcast %get3A_25 : vector<256x1xf32> to vector<256x256xf32>
      %gt3A_97 = arith.cmpf ogt, %gt3A_95, %gt3A_96 : vector<256x256xf32>
      %eq3A_98 = vector.broadcast %get3A_80 : vector<1x256xf32> to vector<256x256xf32>
      %eq3A_99 = vector.broadcast %get3A_25 : vector<256x1xf32> to vector<256x256xf32>
      %eq3A_100 = arith.cmpf oeq, %eq3A_98, %eq3A_99 : vector<256x256xf32>
      %lt3A_101 = vector.broadcast %add3A_88 : vector<1x256xi32> to vector<256x256xi32>
      %lt3A_102 = vector.broadcast %add3A_33 : vector<256x1xi32> to vector<256x256xi32>
      %lt3A_103 = arith.cmpi slt, %lt3A_101, %lt3A_102 : vector<256x256xi32>
      %and3A_104 = arith.andi %eq3A_100, %lt3A_103 : vector<256x256xi1>
      %or3A = arith.ori %gt3A_97, %and3A_104 : vector<256x256xi1>
      %and3A_105 = arith.andi %eq3A_94, %or3A : vector<256x256xi1>
      %or3A_106 = arith.ori %gt3A_91, %and3A_105 : vector<256x256xi1>
      %eq3A_107 = vector.broadcast %get3A_77 : vector<1x256xi32> to vector<256x256xi32>
      %eq3A_108 = vector.broadcast %get3A_28 : vector<256x1xi32> to vector<256x256xi32>
      %eq3A_109 = arith.cmpi eq, %eq3A_107, %eq3A_108 : vector<256x256xi32>
      %gt3A_110 = arith.constant 0.000000e+00 : f32
      %gt3A_111 = vector.broadcast %gt3A_110 : f32 to vector<1x256xf32>
      %gt3A_112 = arith.cmpf ogt, %get3A_83, %gt3A_111 : vector<1x256xf32>
      %and3A_113 = vector.broadcast %gt3A_112 : vector<1x256xi1> to vector<256x256xi1>
      %and3A_114 = arith.andi %eq3A_109, %and3A_113 : vector<256x256xi1>
      %and3A_115 = arith.andi %and3A_114, %or3A_106 : vector<256x256xi1>
      %convert_element_type3A_116 = arith.extui %and3A_115 : vector<256x256xi1> to vector<256x256xi32>
      %reduce_sum3A = arith.constant dense<0> : vector<256xi32>
      %reduce_sum3A_117 = vector.multi_reduction <add>, %convert_element_type3A_116, %reduce_sum3A [1] : vector<256x256xi32> to vector<256xi32>
      %broadcast_in_dim3A_118 = vector.shape_cast %reduce_sum3A_117 : vector<256xi32> to vector<256x1xi32>
      %add3A_119 = arith.addi %while3A_71, %broadcast_in_dim3A_118 : vector<256x1xi32>
      scf.yield %add3A_119 : vector<256x1xi32>
    }
    %iota3A_44 = tpu.iota {dimensions = array<i32: 1>} : vector<1x256xi32>
    %eq3A = vector.broadcast %get3A_28 : vector<256x1xi32> to vector<256x256xi32>
    %eq3A_45 = vector.broadcast %iota3A_44 : vector<1x256xi32> to vector<256x256xi32>
    %eq3A_46 = arith.cmpi eq, %eq3A, %eq3A_45 : vector<256x256xi32>
    %convert_element_type3A = arith.extui %eq3A_46 : vector<256x256xi1> to vector<256x256xi32>
    %convert_element_type3A_47 = arith.sitofp %convert_element_type3A : vector<256x256xi32> to vector<256x256xf32>
    %get3A_48 = arith.constant 0 : index
    %get3A_49 = arith.constant 0 : index
    %get3A_50 = vector.load %arg12[%get3A_48, %get3A_49] : memref<256x1xf32, #tpu.memory_space<vmem>>, vector<256x1xf32>
    %dot_general3A = arith.constant dense<0.000000e+00> : vector<256x1xf32>
    %dot_general3A_51 = tpu.matmul %convert_element_type3A_47, %get3A_50, %dot_general3A {dimension_numbers = #tpu.dot_dimension_numbers<[1], [0], [0], [1], [0, 0, 1, 1], [], []>, precision = #tpu.contract_precision<fp32>, transpose_lhs_hint = false} : vector<256x256xf32>, vector<256x1xf32>, vector<256x1xf32> -> vector<256x1xf32>
    %gt3A = arith.constant 0.000000e+00 : f32
    %gt3A_52 = vector.broadcast %gt3A : f32 to vector<256x1xf32>
    %gt3A_53 = arith.cmpf ogt, %get3A_31, %gt3A_52 : vector<256x1xf32>
    %convert_element_type3A_54 = arith.sitofp %while3A_43 : vector<256x1xi32> to vector<256x1xf32>
    %lt3A = arith.cmpf olt, %convert_element_type3A_54, %dot_general3A_51 : vector<256x1xf32>
    %and3A = arith.andi %gt3A_53, %lt3A : vector<256x1xi1>
    %convert_element_type3A_55 = arith.extui %and3A : vector<256x1xi1> to vector<256x1xi32>
    %convert_element_type3A_56 = arith.sitofp %convert_element_type3A_55 : vector<256x1xi32> to vector<256x1xf32>
    %swap3A = arith.constant 0 : index
    %swap3A_57 = arith.constant 0 : index
    %swap3A_58 = vector.load %arg14[%swap3A, %swap3A_57] : memref<256x1xf32, #tpu.memory_space<vmem>>, vector<256x1xf32>
    tpu.vector_store %arg14[%swap3A, %swap3A_57], %convert_element_type3A_56 {strides = array<i32>} : memref<256x1xf32, #tpu.memory_space<vmem>>, vector<256x1xf32>,
    %get3A_59 = arith.constant 0 : index
    %get3A_60 = arith.constant 0 : index
    %get3A_61 = vector.load %arg13[%get3A_59, %get3A_60] : memref<256x128xf32, #tpu.memory_space<vmem>>, vector<256x128xf32>
    %mul3A_62 = vector.broadcast %get3A_22 : vector<256x1xf32> to vector<256x128xf32>
    %mul3A_63 = arith.mulf %mul3A_62, %get3A_61 : vector<256x128xf32>
    %jit3A = arith.constant 0.000000e+00 : f32
    %broadcast_in_dim3A_64 = vector.shape_cast %and3A : vector<256x1xi1> to vector<256x1xi1>
    %broadcast_in_dim3A_65 = vector.broadcast %broadcast_in_dim3A_64 : vector<256x1xi1> to vector<256x128xi1>
    %broadcast_in_dim3A_66 = vector.broadcast %jit3A : f32 to vector<256x128xf32>
    %select_n3A = arith.select %broadcast_in_dim3A_65, %mul3A_63, %broadcast_in_dim3A_66 : vector<256x128xi1>, vector<256x128xf32>
    %swap3A_67 = arith.constant 0 : index
    %swap3A_68 = arith.constant 0 : index
    %swap3A_69 = vector.load %arg15[%swap3A_67, %swap3A_68] : memref<256x128xf32, #tpu.memory_space<vmem>>, vector<256x128xf32>
    tpu.vector_store %arg15[%swap3A_67, %swap3A_68], %select_n3A {strides = array<i32>} : memref<256x128xf32, #tpu.memory_space<vmem>>, vector<256x128xf32>,
    return
  }
  func.func @transform_0(%arg0: i32, %arg1: memref<10752xi32, #tpu.memory_space<smem>>, %arg2: memref<256xi32, #tpu.memory_space<smem>>, %arg3: memref<256xi32, #tpu.memory_space<smem>>) -> (i32, i32) {
    %c0_i32 = arith.constant 0 : i32
    %c0_i32_0 = arith.constant 0 : i32
    return %arg0, %c0_i32 : i32, i32
  }
  func.func @transform_1(%arg0: i32, %arg1: memref<10752xi32, #tpu.memory_space<smem>>, %arg2: memref<256xi32, #tpu.memory_space<smem>>, %arg3: memref<256xi32, #tpu.memory_space<smem>>) -> (i32, i32) {
    %c0_i32 = arith.constant 0 : i32
    %c0_i32_0 = arith.constant 0 : i32
    return %arg0, %c0_i32 : i32, i32
  }
  func.func @transform_2(%arg0: i32, %arg1: memref<10752xi32, #tpu.memory_space<smem>>, %arg2: memref<256xi32, #tpu.memory_space<smem>>, %arg3: memref<256xi32, #tpu.memory_space<smem>>) -> (i32, i32) {
    %c0_i32 = arith.constant 0 : i32
    %c0_i32_0 = arith.constant 0 : i32
    return %arg0, %c0_i32 : i32, i32
  }
  func.func @transform_3(%arg0: i32, %arg1: memref<10752xi32, #tpu.memory_space<smem>>, %arg2: memref<256xi32, #tpu.memory_space<smem>>, %arg3: memref<256xi32, #tpu.memory_space<smem>>) -> (i32, i32) {
    %c0_i32 = arith.constant 0 : i32
    %c0_i32_0 = arith.constant 0 : i32
    return %arg0, %c0_i32 : i32, i32
  }
  func.func @transform_4(%arg0: i32, %arg1: memref<10752xi32, #tpu.memory_space<smem>>, %arg2: memref<256xi32, #tpu.memory_space<smem>>, %arg3: memref<256xi32, #tpu.memory_space<smem>>) -> (i32, i32) {
    %c0_i32 = arith.constant 0 : i32
    %c0_i32_0 = arith.constant 0 : i32
    %c0_i32_1 = arith.constant 0 : i32
    return %c0_i32, %c0_i32_0 : i32, i32
  }
  func.func @transform_5(%arg0: i32, %arg1: memref<10752xi32, #tpu.memory_space<smem>>, %arg2: memref<256xi32, #tpu.memory_space<smem>>, %arg3: memref<256xi32, #tpu.memory_space<smem>>) -> (i32, i32) {
    %c0_i32 = arith.constant 0 : i32
    %c0_i32_0 = arith.constant 0 : i32
    %c0_i32_1 = arith.constant 0 : i32
    return %c0_i32, %c0_i32_0 : i32, i32
  }
  func.func @transform_6(%arg0: i32, %arg1: memref<10752xi32, #tpu.memory_space<smem>>, %arg2: memref<256xi32, #tpu.memory_space<smem>>, %arg3: memref<256xi32, #tpu.memory_space<smem>>) -> (i32, i32) {
    %c0_i32 = arith.constant 0 : i32
    %c0_i32_0 = arith.constant 0 : i32
    %c0_i32_1 = arith.constant 0 : i32
    return %c0_i32, %c0_i32_0 : i32, i32
  }
  func.func @transform_7(%arg0: i32, %arg1: memref<10752xi32, #tpu.memory_space<smem>>, %arg2: memref<256xi32, #tpu.memory_space<smem>>, %arg3: memref<256xi32, #tpu.memory_space<smem>>) -> (i32, i32) {
    %c0_i32 = arith.constant 0 : i32
    %c0_i32_0 = arith.constant 0 : i32
    %c0_i32_1 = arith.constant 0 : i32
    return %c0_i32, %c0_i32_0 : i32, i32
  }
  func.func @transform_8(%arg0: i32, %arg1: memref<10752xi32, #tpu.memory_space<smem>>, %arg2: memref<256xi32, #tpu.memory_space<smem>>, %arg3: memref<256xi32, #tpu.memory_space<smem>>) -> (i32, i32) {
    %c0_i32 = arith.constant 0 : i32
    %c0_i32_0 = arith.constant 0 : i32
    %c0_i32_1 = arith.constant 0 : i32
    return %c0_i32, %c0_i32_0 : i32, i32
  }
  func.func @transform_9(%arg0: i32, %arg1: memref<10752xi32, #tpu.memory_space<smem>>, %arg2: memref<256xi32, #tpu.memory_space<smem>>, %arg3: memref<256xi32, #tpu.memory_space<smem>>) -> (i32, i32) {
    %c0_i32 = arith.constant 0 : i32
    %c0_i32_0 = arith.constant 0 : i32
    return %arg0, %c0_i32 : i32, i32
  }
  func.func @transform_10(%arg0: i32, %arg1: memref<10752xi32, #tpu.memory_space<smem>>, %arg2: memref<256xi32, #tpu.memory_space<smem>>, %arg3: memref<256xi32, #tpu.memory_space<smem>>) -> (i32, i32) {
    %c0_i32 = arith.constant 0 : i32
    %c0_i32_0 = arith.constant 0 : i32
    return %arg0, %c0_i32 : i32, i32
  }
  func.func @transform_11(%arg0: i32, %arg1: memref<10752xi32, #tpu.memory_space<smem>>, %arg2: memref<256xi32, #tpu.memory_space<smem>>, %arg3: memref<256xi32, #tpu.memory_space<smem>>) -> (i32, i32) {
    %c0_i32 = arith.constant 0 : i32
    %c0_i32_0 = arith.constant 0 : i32
    return %arg0, %c0_i32 : i32, i32
  }
}

module attributes {stable_mosaic.version = 14 : i64} {
  func.func @_pool_body(%arg0: i32, %arg1: memref<256xi32, #tpu.memory_space<smem>>, %arg2: memref<256xi32, #tpu.memory_space<smem>>, %arg3: memref<256xi32, #tpu.memory_space<smem>>, %arg4: memref<256xi32, #tpu.memory_space<smem>>, %arg5: memref<10752x128xf32, #tpu.memory_space<vmem>>, %arg6: memref<10752x128xf32, #tpu.memory_space<vmem>>, %arg7: memref<10752x1xf32, #tpu.memory_space<vmem>>, %arg8: memref<10752x1xf32, #tpu.memory_space<vmem>>, %arg9: memref<1x1x256xf32, #tpu.memory_space<vmem>>) attributes {dimension_semantics = [#tpu.dimension_semantics<arbitrary>], iteration_bounds = array<i64: 128>, scalar_prefetch = 4 : i64, scratch_operands = 0 : i64, tpu.core_type = #tpu.core_type<tc>, window_params = [{pipeline_mode = #tpu.pipeline_mode<synchronous>, transform_indices = @transform_0, window_bounds = array<i64: 10752, 128>}, {pipeline_mode = #tpu.pipeline_mode<synchronous>, transform_indices = @transform_1, window_bounds = array<i64: 10752, 128>}, {pipeline_mode = #tpu.pipeline_mode<synchronous>, transform_indices = @transform_2, window_bounds = array<i64: 10752, 1>}, {pipeline_mode = #tpu.pipeline_mode<synchronous>, transform_indices = @transform_3, window_bounds = array<i64: 10752, 1>}, {transform_indices = @transform_4, window_bounds = array<i64: 1, 1, 256>}]} {
    %get3A = arith.index_cast %arg0 : i32 to index
    %get3A_0 = memref.load %arg1[%get3A] : memref<256xi32, #tpu.memory_space<smem>>
    %get3A_1 = arith.index_cast %arg0 : i32 to index
    %get3A_2 = memref.load %arg2[%get3A_1] : memref<256xi32, #tpu.memory_space<smem>>
    %get3A_3 = arith.index_cast %arg0 : i32 to index
    %get3A_4 = memref.load %arg3[%get3A_3] : memref<256xi32, #tpu.memory_space<smem>>
    %get3A_5 = arith.index_cast %arg0 : i32 to index
    %get3A_6 = memref.load %arg4[%get3A_5] : memref<256xi32, #tpu.memory_space<smem>>
    %add3A = arith.constant 512 : i32
    %add3A_7 = arith.addi %get3A_2, %add3A : i32
    %sub3A = arith.constant 1 : i32
    %sub3A_8 = arith.subi %add3A_7, %sub3A : i32
    %shift_right_arithmetic3A = arith.constant 9 : i32
    %shift_right_arithmetic3A_9 = arith.shrsi %sub3A_8, %shift_right_arithmetic3A : i32
    %broadcast_in_dim3A = arith.constant 0.000000e+00 : f32
    %broadcast_in_dim3A_10 = vector.broadcast %broadcast_in_dim3A : f32 to vector<1x128xf32>
    %broadcast_in_dim3A_11 = arith.constant 0xFF800000 : f32
    %broadcast_in_dim3A_12 = vector.broadcast %broadcast_in_dim3A_11 : f32 to vector<1x128xf32>
    %while3A = arith.constant 0xFF800000 : f32
    %while3A_13 = arith.constant 0 : i32
    %while3A_14 = arith.subi %shift_right_arithmetic3A_9, %while3A_13 : i32
    %while3A_15 = arith.addi %while3A_13, %while3A_14 : i32
    %while3A_16 = arith.constant 1 : i32
    %while3A_17 = arith.divsi %while3A_14, %while3A_16 : i32
    %while3A_18 = arith.muli %while3A_17, %while3A_16 : i32
    %while3A_19 = arith.addi %while3A_13, %while3A_18 : i32
    %while3A_20 = arith.constant 1 : i32
    %while3A_21:4 = scf.for %while3A_43 = %while3A_13 to %while3A_19 step %while3A_20 iter_args(%while3A_44 = %broadcast_in_dim3A_12, %while3A_45 = %broadcast_in_dim3A_10, %while3A_46 = %broadcast_in_dim3A_12, %while3A_47 = %broadcast_in_dim3A_10) -> (vector<1x128xf32>, vector<1x128xf32>, vector<1x128xf32>, vector<1x128xf32>)  : i32 {
      %mul3A = arith.constant 512 : i32
      %mul3A_48 = arith.muli %while3A_43, %mul3A : i32
      %add3A_49 = arith.addi %get3A_0, %mul3A_48 : i32
      %get3A_50 = arith.index_cast %add3A_49 : i32 to index
      %get3A_51 = arith.constant 0 : index
      %get3A_52 = vector.load %arg5[%get3A_50, %get3A_51] : memref<10752x128xf32, #tpu.memory_space<vmem>>, vector<512x128xf32>
      %get3A_53 = arith.index_cast %add3A_49 : i32 to index
      %get3A_54 = arith.constant 0 : index
      %get3A_55 = vector.load %arg6[%get3A_53, %get3A_54] : memref<10752x128xf32, #tpu.memory_space<vmem>>, vector<512x128xf32>
      %get3A_56 = arith.index_cast %add3A_49 : i32 to index
      %get3A_57 = arith.constant 0 : index
      %get3A_58 = vector.load %arg7[%get3A_56, %get3A_57] : memref<10752x1xf32, #tpu.memory_space<vmem>>, vector<512x1xf32>
      %get3A_59 = arith.index_cast %add3A_49 : i32 to index
      %get3A_60 = arith.constant 0 : index
      %get3A_61 = vector.load %arg8[%get3A_59, %get3A_60] : memref<10752x1xf32, #tpu.memory_space<vmem>>, vector<512x1xf32>
      %mul3A_62 = arith.constant 512 : i32
      %mul3A_63 = arith.muli %while3A_43, %mul3A_62 : i32
      %iota3A = tpu.iota {dimensions = array<i32: 0>} : vector<512x1xi32>
      %add3A_64 = vector.broadcast %mul3A_63 : i32 to vector<512x1xi32>
      %add3A_65 = arith.addi %add3A_64, %iota3A : vector<512x1xi32>
      %lt3A = vector.broadcast %get3A_2 : i32 to vector<512x1xi32>
      %lt3A_66 = arith.cmpi slt, %add3A_65, %lt3A : vector<512x1xi32>
      %gt3A_67 = arith.constant 0.000000e+00 : f32
      %gt3A_68 = vector.broadcast %gt3A_67 : f32 to vector<512x1xf32>
      %gt3A_69 = arith.cmpf ogt, %get3A_58, %gt3A_68 : vector<512x1xf32>
      %and3A = arith.andi %lt3A_66, %gt3A_69 : vector<512x1xi1>
      %gt3A_70 = arith.constant 0.000000e+00 : f32
      %gt3A_71 = vector.broadcast %gt3A_70 : f32 to vector<512x1xf32>
      %gt3A_72 = arith.cmpf ogt, %get3A_61, %gt3A_71 : vector<512x1xf32>
      %and3A_73 = arith.andi %lt3A_66, %gt3A_72 : vector<512x1xi1>
      %broadcast_in_dim3A_74 = vector.shape_cast %and3A : vector<512x1xi1> to vector<512x1xi1>
      %broadcast_in_dim3A_75 = vector.broadcast %broadcast_in_dim3A_74 : vector<512x1xi1> to vector<512x128xi1>
      %broadcast_in_dim3A_76 = vector.broadcast %while3A : f32 to vector<512x128xf32>
      %select_n3A_77 = arith.select %broadcast_in_dim3A_75, %get3A_52, %broadcast_in_dim3A_76 : vector<512x128xi1>, vector<512x128xf32>
      %reduce_max3A = arith.constant dense<0xFF800000> : vector<128xf32>
      %reduce_max3A_78 = vector.multi_reduction <maximumf>, %select_n3A_77, %reduce_max3A [0] : vector<512x128xf32> to vector<128xf32>
      %broadcast_in_dim3A_79 = vector.shape_cast %reduce_max3A_78 : vector<128xf32> to vector<1x128xf32>
      %max3A_80 = arith.maximumf %while3A_44, %broadcast_in_dim3A_79 : vector<1x128xf32>
      %jit3A_81 = arith.constant 0.000000e+00 : f32
      %broadcast_in_dim3A_82 = vector.shape_cast %lt3A_66 : vector<512x1xi1> to vector<512x1xi1>
      %broadcast_in_dim3A_83 = vector.broadcast %broadcast_in_dim3A_82 : vector<512x1xi1> to vector<512x128xi1>
      %broadcast_in_dim3A_84 = vector.broadcast %jit3A_81 : f32 to vector<512x128xf32>
      %select_n3A_85 = arith.select %broadcast_in_dim3A_83, %get3A_52, %broadcast_in_dim3A_84 : vector<512x128xi1>, vector<512x128xf32>
      %reduce_sum3A = arith.constant dense<0.000000e+00> : vector<128xf32>
      %reduce_sum3A_86 = vector.multi_reduction <add>, %select_n3A_85, %reduce_sum3A [0] : vector<512x128xf32> to vector<128xf32>
      %broadcast_in_dim3A_87 = vector.shape_cast %reduce_sum3A_86 : vector<128xf32> to vector<1x128xf32>
      %add3A_88 = arith.addf %while3A_45, %broadcast_in_dim3A_87 : vector<1x128xf32>
      %broadcast_in_dim3A_89 = vector.shape_cast %and3A_73 : vector<512x1xi1> to vector<512x1xi1>
      %broadcast_in_dim3A_90 = vector.broadcast %broadcast_in_dim3A_89 : vector<512x1xi1> to vector<512x128xi1>
      %broadcast_in_dim3A_91 = vector.broadcast %while3A : f32 to vector<512x128xf32>
      %select_n3A_92 = arith.select %broadcast_in_dim3A_90, %get3A_55, %broadcast_in_dim3A_91 : vector<512x128xi1>, vector<512x128xf32>
      %reduce_max3A_93 = arith.constant dense<0xFF800000> : vector<128xf32>
      %reduce_max3A_94 = vector.multi_reduction <maximumf>, %select_n3A_92, %reduce_max3A_93 [0] : vector<512x128xf32> to vector<128xf32>
      %broadcast_in_dim3A_95 = vector.shape_cast %reduce_max3A_94 : vector<128xf32> to vector<1x128xf32>
      %max3A_96 = arith.maximumf %while3A_46, %broadcast_in_dim3A_95 : vector<1x128xf32>
      %jit3A_97 = arith.constant 0.000000e+00 : f32
      %broadcast_in_dim3A_98 = vector.shape_cast %lt3A_66 : vector<512x1xi1> to vector<512x1xi1>
      %broadcast_in_dim3A_99 = vector.broadcast %broadcast_in_dim3A_98 : vector<512x1xi1> to vector<512x128xi1>
      %broadcast_in_dim3A_100 = vector.broadcast %jit3A_97 : f32 to vector<512x128xf32>
      %select_n3A_101 = arith.select %broadcast_in_dim3A_99, %get3A_55, %broadcast_in_dim3A_100 : vector<512x128xi1>, vector<512x128xf32>
      %reduce_sum3A_102 = arith.constant dense<0.000000e+00> : vector<128xf32>
      %reduce_sum3A_103 = vector.multi_reduction <add>, %select_n3A_101, %reduce_sum3A_102 [0] : vector<512x128xf32> to vector<128xf32>
      %broadcast_in_dim3A_104 = vector.shape_cast %reduce_sum3A_103 : vector<128xf32> to vector<1x128xf32>
      %add3A_105 = arith.addf %while3A_47, %broadcast_in_dim3A_104 : vector<1x128xf32>
      scf.yield %max3A_80, %add3A_88, %max3A_96, %add3A_105 : vector<1x128xf32>, vector<1x128xf32>, vector<1x128xf32>, vector<1x128xf32>
    }
    %while3A_22 = arith.constant 1 : i32
    %while3A_23:4 = scf.for %while3A_43 = %while3A_19 to %while3A_15 step %while3A_22 iter_args(%while3A_44 = %while3A_21#0, %while3A_45 = %while3A_21#1, %while3A_46 = %while3A_21#2, %while3A_47 = %while3A_21#3) -> (vector<1x128xf32>, vector<1x128xf32>, vector<1x128xf32>, vector<1x128xf32>)  : i32 {
      %mul3A = arith.constant 512 : i32
      %mul3A_48 = arith.muli %while3A_43, %mul3A : i32
      %add3A_49 = arith.addi %get3A_0, %mul3A_48 : i32
      %get3A_50 = arith.index_cast %add3A_49 : i32 to index
      %get3A_51 = arith.constant 0 : index
      %get3A_52 = vector.load %arg5[%get3A_50, %get3A_51] : memref<10752x128xf32, #tpu.memory_space<vmem>>, vector<512x128xf32>
      %get3A_53 = arith.index_cast %add3A_49 : i32 to index
      %get3A_54 = arith.constant 0 : index
      %get3A_55 = vector.load %arg6[%get3A_53, %get3A_54] : memref<10752x128xf32, #tpu.memory_space<vmem>>, vector<512x128xf32>
      %get3A_56 = arith.index_cast %add3A_49 : i32 to index
      %get3A_57 = arith.constant 0 : index
      %get3A_58 = vector.load %arg7[%get3A_56, %get3A_57] : memref<10752x1xf32, #tpu.memory_space<vmem>>, vector<512x1xf32>
      %get3A_59 = arith.index_cast %add3A_49 : i32 to index
      %get3A_60 = arith.constant 0 : index
      %get3A_61 = vector.load %arg8[%get3A_59, %get3A_60] : memref<10752x1xf32, #tpu.memory_space<vmem>>, vector<512x1xf32>
      %mul3A_62 = arith.constant 512 : i32
      %mul3A_63 = arith.muli %while3A_43, %mul3A_62 : i32
      %iota3A = tpu.iota {dimensions = array<i32: 0>} : vector<512x1xi32>
      %add3A_64 = vector.broadcast %mul3A_63 : i32 to vector<512x1xi32>
      %add3A_65 = arith.addi %add3A_64, %iota3A : vector<512x1xi32>
      %lt3A = vector.broadcast %get3A_2 : i32 to vector<512x1xi32>
      %lt3A_66 = arith.cmpi slt, %add3A_65, %lt3A : vector<512x1xi32>
      %gt3A_67 = arith.constant 0.000000e+00 : f32
      %gt3A_68 = vector.broadcast %gt3A_67 : f32 to vector<512x1xf32>
      %gt3A_69 = arith.cmpf ogt, %get3A_58, %gt3A_68 : vector<512x1xf32>
      %and3A = arith.andi %lt3A_66, %gt3A_69 : vector<512x1xi1>
      %gt3A_70 = arith.constant 0.000000e+00 : f32
      %gt3A_71 = vector.broadcast %gt3A_70 : f32 to vector<512x1xf32>
      %gt3A_72 = arith.cmpf ogt, %get3A_61, %gt3A_71 : vector<512x1xf32>
      %and3A_73 = arith.andi %lt3A_66, %gt3A_72 : vector<512x1xi1>
      %broadcast_in_dim3A_74 = vector.shape_cast %and3A : vector<512x1xi1> to vector<512x1xi1>
      %broadcast_in_dim3A_75 = vector.broadcast %broadcast_in_dim3A_74 : vector<512x1xi1> to vector<512x128xi1>
      %broadcast_in_dim3A_76 = vector.broadcast %while3A : f32 to vector<512x128xf32>
      %select_n3A_77 = arith.select %broadcast_in_dim3A_75, %get3A_52, %broadcast_in_dim3A_76 : vector<512x128xi1>, vector<512x128xf32>
      %reduce_max3A = arith.constant dense<0xFF800000> : vector<128xf32>
      %reduce_max3A_78 = vector.multi_reduction <maximumf>, %select_n3A_77, %reduce_max3A [0] : vector<512x128xf32> to vector<128xf32>
      %broadcast_in_dim3A_79 = vector.shape_cast %reduce_max3A_78 : vector<128xf32> to vector<1x128xf32>
      %max3A_80 = arith.maximumf %while3A_44, %broadcast_in_dim3A_79 : vector<1x128xf32>
      %jit3A_81 = arith.constant 0.000000e+00 : f32
      %broadcast_in_dim3A_82 = vector.shape_cast %lt3A_66 : vector<512x1xi1> to vector<512x1xi1>
      %broadcast_in_dim3A_83 = vector.broadcast %broadcast_in_dim3A_82 : vector<512x1xi1> to vector<512x128xi1>
      %broadcast_in_dim3A_84 = vector.broadcast %jit3A_81 : f32 to vector<512x128xf32>
      %select_n3A_85 = arith.select %broadcast_in_dim3A_83, %get3A_52, %broadcast_in_dim3A_84 : vector<512x128xi1>, vector<512x128xf32>
      %reduce_sum3A = arith.constant dense<0.000000e+00> : vector<128xf32>
      %reduce_sum3A_86 = vector.multi_reduction <add>, %select_n3A_85, %reduce_sum3A [0] : vector<512x128xf32> to vector<128xf32>
      %broadcast_in_dim3A_87 = vector.shape_cast %reduce_sum3A_86 : vector<128xf32> to vector<1x128xf32>
      %add3A_88 = arith.addf %while3A_45, %broadcast_in_dim3A_87 : vector<1x128xf32>
      %broadcast_in_dim3A_89 = vector.shape_cast %and3A_73 : vector<512x1xi1> to vector<512x1xi1>
      %broadcast_in_dim3A_90 = vector.broadcast %broadcast_in_dim3A_89 : vector<512x1xi1> to vector<512x128xi1>
      %broadcast_in_dim3A_91 = vector.broadcast %while3A : f32 to vector<512x128xf32>
      %select_n3A_92 = arith.select %broadcast_in_dim3A_90, %get3A_55, %broadcast_in_dim3A_91 : vector<512x128xi1>, vector<512x128xf32>
      %reduce_max3A_93 = arith.constant dense<0xFF800000> : vector<128xf32>
      %reduce_max3A_94 = vector.multi_reduction <maximumf>, %select_n3A_92, %reduce_max3A_93 [0] : vector<512x128xf32> to vector<128xf32>
      %broadcast_in_dim3A_95 = vector.shape_cast %reduce_max3A_94 : vector<128xf32> to vector<1x128xf32>
      %max3A_96 = arith.maximumf %while3A_46, %broadcast_in_dim3A_95 : vector<1x128xf32>
      %jit3A_97 = arith.constant 0.000000e+00 : f32
      %broadcast_in_dim3A_98 = vector.shape_cast %lt3A_66 : vector<512x1xi1> to vector<512x1xi1>
      %broadcast_in_dim3A_99 = vector.broadcast %broadcast_in_dim3A_98 : vector<512x1xi1> to vector<512x128xi1>
      %broadcast_in_dim3A_100 = vector.broadcast %jit3A_97 : f32 to vector<512x128xf32>
      %select_n3A_101 = arith.select %broadcast_in_dim3A_99, %get3A_55, %broadcast_in_dim3A_100 : vector<512x128xi1>, vector<512x128xf32>
      %reduce_sum3A_102 = arith.constant dense<0.000000e+00> : vector<128xf32>
      %reduce_sum3A_103 = vector.multi_reduction <add>, %select_n3A_101, %reduce_sum3A_102 [0] : vector<512x128xf32> to vector<128xf32>
      %broadcast_in_dim3A_104 = vector.shape_cast %reduce_sum3A_103 : vector<128xf32> to vector<1x128xf32>
      %add3A_105 = arith.addf %while3A_47, %broadcast_in_dim3A_104 : vector<1x128xf32>
      scf.yield %max3A_80, %add3A_88, %max3A_96, %add3A_105 : vector<1x128xf32>, vector<1x128xf32>, vector<1x128xf32>, vector<1x128xf32>
    }
    %gt3A = arith.constant 0 : i32
    %gt3A_24 = arith.cmpi sgt, %get3A_4, %gt3A : i32
    %jit3A = arith.constant 0.000000e+00 : f32
    %broadcast_in_dim3A_25 = vector.broadcast %jit3A : f32 to vector<1x128xf32>
    %select_n3A = arith.select %gt3A_24, %while3A_23#0, %broadcast_in_dim3A_25 : vector<1x128xf32>
    %gt3A_26 = arith.constant 0 : i32
    %gt3A_27 = arith.cmpi sgt, %get3A_6, %gt3A_26 : i32
    %jit3A_28 = arith.constant 0.000000e+00 : f32
    %broadcast_in_dim3A_29 = vector.broadcast %jit3A_28 : f32 to vector<1x128xf32>
    %select_n3A_30 = arith.select %gt3A_27, %while3A_23#2, %broadcast_in_dim3A_29 : vector<1x128xf32>
    %max3A = arith.constant 1 : i32
    %max3A_31 = arith.maxsi %get3A_4, %max3A : i32
    %convert_element_type3A = arith.sitofp %max3A_31 : i32 to f32
    %div3A = vector.broadcast %convert_element_type3A : f32 to vector<1x128xf32>
    %div3A_32 = arith.divf %while3A_23#1, %div3A : vector<1x128xf32>
    %max3A_33 = arith.constant 1 : i32
    %max3A_34 = arith.maxsi %get3A_6, %max3A_33 : i32
    %convert_element_type3A_35 = arith.sitofp %max3A_34 : i32 to f32
    %div3A_36 = vector.broadcast %convert_element_type3A_35 : f32 to vector<1x128xf32>
    %div3A_37 = arith.divf %while3A_23#3, %div3A_36 : vector<1x128xf32>
    %add3A_38 = arith.addf %select_n3A, %select_n3A_30 : vector<1x128xf32>
    %add3A_39 = arith.addf %div3A_32, %div3A_37 : vector<1x128xf32>
    %concatenate3A = tpu.concatenate %add3A_38, %add3A_39 in 1 : vector<1x128xf32>, vector<1x128xf32> -> vector<1x256xf32>
    %reshape3A = vector.shape_cast %concatenate3A : vector<1x256xf32> to vector<1x1x256xf32>
    %swap3A = arith.constant 0 : index
    %swap3A_40 = arith.constant 0 : index
    %swap3A_41 = arith.constant 0 : index
    %swap3A_42 = vector.load %arg9[%swap3A, %swap3A_40, %swap3A_41] : memref<1x1x256xf32, #tpu.memory_space<vmem>>, vector<1x1x256xf32>
    tpu.vector_store %arg9[%swap3A, %swap3A_40, %swap3A_41], %reshape3A {strides = array<i32>} : memref<1x1x256xf32, #tpu.memory_space<vmem>>, vector<1x1x256xf32>,
    return
  }
  func.func @transform_0(%arg0: i32, %arg1: memref<256xi32, #tpu.memory_space<smem>>, %arg2: memref<256xi32, #tpu.memory_space<smem>>, %arg3: memref<256xi32, #tpu.memory_space<smem>>, %arg4: memref<256xi32, #tpu.memory_space<smem>>) -> (i32, i32) {
    %c0_i32 = arith.constant 0 : i32
    %c0_i32_0 = arith.constant 0 : i32
    %c0_i32_1 = arith.constant 0 : i32
    return %c0_i32, %c0_i32_0 : i32, i32
  }
  func.func @transform_1(%arg0: i32, %arg1: memref<256xi32, #tpu.memory_space<smem>>, %arg2: memref<256xi32, #tpu.memory_space<smem>>, %arg3: memref<256xi32, #tpu.memory_space<smem>>, %arg4: memref<256xi32, #tpu.memory_space<smem>>) -> (i32, i32) {
    %c0_i32 = arith.constant 0 : i32
    %c0_i32_0 = arith.constant 0 : i32
    %c0_i32_1 = arith.constant 0 : i32
    return %c0_i32, %c0_i32_0 : i32, i32
  }
  func.func @transform_2(%arg0: i32, %arg1: memref<256xi32, #tpu.memory_space<smem>>, %arg2: memref<256xi32, #tpu.memory_space<smem>>, %arg3: memref<256xi32, #tpu.memory_space<smem>>, %arg4: memref<256xi32, #tpu.memory_space<smem>>) -> (i32, i32) {
    %c0_i32 = arith.constant 0 : i32
    %c0_i32_0 = arith.constant 0 : i32
    %c0_i32_1 = arith.constant 0 : i32
    return %c0_i32, %c0_i32_0 : i32, i32
  }
  func.func @transform_3(%arg0: i32, %arg1: memref<256xi32, #tpu.memory_space<smem>>, %arg2: memref<256xi32, #tpu.memory_space<smem>>, %arg3: memref<256xi32, #tpu.memory_space<smem>>, %arg4: memref<256xi32, #tpu.memory_space<smem>>) -> (i32, i32) {
    %c0_i32 = arith.constant 0 : i32
    %c0_i32_0 = arith.constant 0 : i32
    %c0_i32_1 = arith.constant 0 : i32
    return %c0_i32, %c0_i32_0 : i32, i32
  }
  func.func @transform_4(%arg0: i32, %arg1: memref<256xi32, #tpu.memory_space<smem>>, %arg2: memref<256xi32, #tpu.memory_space<smem>>, %arg3: memref<256xi32, #tpu.memory_space<smem>>, %arg4: memref<256xi32, #tpu.memory_space<smem>>) -> (i32, i32, i32) {
    %c0_i32 = arith.constant 0 : i32
    %c0_i32_0 = arith.constant 0 : i32
    %c0_i32_1 = arith.constant 0 : i32
    return %arg0, %c0_i32, %c0_i32_0 : i32, i32, i32
  }
}

module attributes {stable_mosaic.version = 14 : i64} {
  func.func @_head_body(%arg0: memref<128x256xf32, #tpu.memory_space<vmem>>, %arg1: memref<256x128xf32, #tpu.memory_space<vmem>>, %arg2: memref<1x128xf32, #tpu.memory_space<vmem>>, %arg3: memref<128x10xf32, #tpu.memory_space<vmem>>, %arg4: memref<1x10xf32, #tpu.memory_space<vmem>>, %arg5: memref<128x10xf32, #tpu.memory_space<vmem>>) attributes {dimension_semantics = [], scalar_prefetch = 0 : i64, scratch_operands = 0 : i64, tpu.core_type = #tpu.core_type<tc>} {
    %get3A = arith.constant 0 : index
    %get3A_0 = arith.constant 0 : index
    %get3A_1 = vector.load %arg0[%get3A, %get3A_0] : memref<128x256xf32, #tpu.memory_space<vmem>>, vector<128x256xf32>
    %get3A_2 = arith.constant 0 : index
    %get3A_3 = arith.constant 0 : index
    %get3A_4 = vector.load %arg1[%get3A_2, %get3A_3] : memref<256x128xf32, #tpu.memory_space<vmem>>, vector<256x128xf32>
    %dot_general3A = arith.constant dense<0.000000e+00> : vector<128x128xf32>
    %dot_general3A_5 = tpu.matmul %get3A_1, %get3A_4, %dot_general3A {dimension_numbers = #tpu.dot_dimension_numbers<[1], [0], [0], [1], [0, 0, 1, 1], [], []>, precision = #tpu.contract_precision<fp32>, transpose_lhs_hint = false} : vector<128x256xf32>, vector<256x128xf32>, vector<128x128xf32> -> vector<128x128xf32>
    %get3A_6 = arith.constant 0 : index
    %get3A_7 = arith.constant 0 : index
    %get3A_8 = vector.load %arg2[%get3A_6, %get3A_7] : memref<1x128xf32, #tpu.memory_space<vmem>>, vector<1x128xf32>
    %add3A = vector.broadcast %get3A_8 : vector<1x128xf32> to vector<128x128xf32>
    %add3A_9 = arith.addf %dot_general3A_5, %add3A : vector<128x128xf32>
    %max3A = arith.constant 0.000000e+00 : f32
    %max3A_10 = vector.broadcast %max3A : f32 to vector<128x128xf32>
    %max3A_11 = arith.maximumf %add3A_9, %max3A_10 : vector<128x128xf32>
    %get3A_12 = arith.constant 0 : index
    %get3A_13 = arith.constant 0 : index
    %get3A_14 = vector.load %arg3[%get3A_12, %get3A_13] : memref<128x10xf32, #tpu.memory_space<vmem>>, vector<128x10xf32>
    %dot_general3A_15 = arith.constant dense<0.000000e+00> : vector<128x10xf32>
    %dot_general3A_16 = tpu.matmul %max3A_11, %get3A_14, %dot_general3A_15 {dimension_numbers = #tpu.dot_dimension_numbers<[1], [0], [0], [1], [0, 0, 1, 1], [], []>, precision = #tpu.contract_precision<fp32>, transpose_lhs_hint = false} : vector<128x128xf32>, vector<128x10xf32>, vector<128x10xf32> -> vector<128x10xf32>
    %get3A_17 = arith.constant 0 : index
    %get3A_18 = arith.constant 0 : index
    %get3A_19 = vector.load %arg4[%get3A_17, %get3A_18] : memref<1x10xf32, #tpu.memory_space<vmem>>, vector<1x10xf32>
    %add3A_20 = vector.broadcast %get3A_19 : vector<1x10xf32> to vector<128x10xf32>
    %add3A_21 = arith.addf %dot_general3A_16, %add3A_20 : vector<128x10xf32>
    %reduce_max3A = arith.constant dense<0xFF800000> : vector<128xf32>
    %reduce_max3A_22 = vector.multi_reduction <maximumf>, %add3A_21, %reduce_max3A [1] : vector<128x10xf32> to vector<128xf32>
    %broadcast_in_dim3A = vector.shape_cast %reduce_max3A_22 : vector<128xf32> to vector<128x1xf32>
    %sub3A = vector.broadcast %broadcast_in_dim3A : vector<128x1xf32> to vector<128x10xf32>
    %sub3A_23 = arith.subf %add3A_21, %sub3A : vector<128x10xf32>
    %exp3A = math.exp %sub3A_23 : vector<128x10xf32>
    %sub3A_24 = vector.broadcast %broadcast_in_dim3A : vector<128x1xf32> to vector<128x10xf32>
    %sub3A_25 = arith.subf %add3A_21, %sub3A_24 : vector<128x10xf32>
    %reduce_sum3A = arith.constant dense<0.000000e+00> : vector<128xf32>
    %reduce_sum3A_26 = vector.multi_reduction <add>, %exp3A, %reduce_sum3A [1] : vector<128x10xf32> to vector<128xf32>
    %broadcast_in_dim3A_27 = vector.shape_cast %reduce_sum3A_26 : vector<128xf32> to vector<128x1xf32>
    %log3A = math.log %broadcast_in_dim3A_27 : vector<128x1xf32>
    %sub3A_28 = vector.broadcast %log3A : vector<128x1xf32> to vector<128x10xf32>
    %sub3A_29 = arith.subf %sub3A_25, %sub3A_28 : vector<128x10xf32>
    %swap3A = arith.constant 0 : index
    %swap3A_30 = arith.constant 0 : index
    %swap3A_31 = vector.load %arg5[%swap3A, %swap3A_30] : memref<128x10xf32, #tpu.memory_space<vmem>>, vector<128x10xf32>
    tpu.vector_store %arg5[%swap3A, %swap3A_30], %sub3A_29 {strides = array<i32>} : memref<128x10xf32, #tpu.memory_space<vmem>>, vector<128x10xf32>,
    return
  }
}

</mosaic_0001>

<sc_bundles>
// kernel: kernel.11.cloned.1.call-start
scs
__scs_entry_jumppad:
0x0: {  	(pc) =	sbr.rel $0x88, $3  }
0x1: {  	(tag) =	ssettag $0x0;
	lr =	simm.s32 $0x1  }
0x2: {  	[smem:$0x3F92] =	sst lr;
	_ =	strace $0xD0000000  }
0x3: {  	_ = 	snop  }
0x4: {  	_ = 	snop  }
0x5: {  	_ = 	snop  }
0x6: {  	_ = 	snop  }
0x7: {  	_ = 	snop  }
__scs_overlays_trampoline_lowered:
0x8: {  	[smem:$0x3FA1] =	sst s0  }
0x9: {  	[smem:$0x3FA2] =	sst s1  }
0xa: {  	[smem:$0x3FA3] =	sst s2  }
0xb: {  	[smem:$0x3FA4] =	sst s3  }
0xc: {  	[smem:$0x3FA5] =	sst s4  }
0xd: {  	[smem:$0x3FA6] =	sst s5  }
0xe: {  	[smem:$0x3FA7] =	sst s6  }
0xf: {  	[smem:$0x3FA8] =	sst s7  }
0x10: {  	[smem:$0x3FA9] =	sst s8  }
0x11: {  	[smem:$0x3FAA] =	sst s9;
	s0 =	simm.s32 @!p0 $0x0  }
0x12: {  	s1 =	sld [smem:$0x3F90];
	s0 =	simm.s32 @p0 $0x1  }
0x13: {  	[smem:$0x3FAB] =	sst s0;
	s0 =	simm.s32 @!p1 $0x0  }
0x14: {  	s2 =	sld [smem:$0x3F8F];
	s0 =	simm.s32 @p1 $0x1  }
0x15: {  	[smem:$0x3FAC] =	sst s0;
	s0 =	simm.s32 @!p2 $0x0  }
0x16: {  	s3 =	sld [smem:$0x3FDB];
	s0 =	simm.s32 @p2 $0x1  }
0x17: {  	s4 =	simm.s32 $0x1BF5;
	[smem:$0x3FAE] =	sst s0  }
0x18: {  	s0 =	sld [smem:$0x3F91];
	_ =	swait.ge [sflag:s4], $0x0  }
0x19: {  	s7 =	sld [smem:$0x3F92]  }
0x1a: {  	s8 =	sadd.s32 $0xFFFFE003, lr  }
0x1b: {  	s9 =	sadd.s32 $0xFFFFFEF7, lr;
	s5 =	simm.s32 $0xFFFFFFFF;
	p2 =	slt.u32 s8, $0xFFFFF086  }
0x1c: {  	p1 =	slt.u32 s9, $0xF7A;
	s5 =	simm.s32 @!p2 $0x0  }
0x1d: {  	s5 =	simm.s32 @p1 $0x1;
	p0 =	seq.s32 s7, s2  }
0x1e: {  	s7 =	smul.u32 @!p0 $0xF7A, s2;
	p2 =	seq.s32 @!p0 s5, $0x0  }
0x1f: {  	s9 =	smul.u32 $0xF7A, s1;
	s8 =	simm.s32 @!p0 $0x1BF5;
	p2 =	por !p2, p0  }
0x20: {  	[sflag:s8] =	ssyncset.s32 @!p0 $0xFFFFF086;
	s6 =	sadd.s32 @!p0 s3, s7;
	s7 =	simm.s32 @!p0 $0x108  }
0x21: {  	s3 =	sadd.s32 s3, s9;
	s6 =	sadd.s32 @!p0 $0x88, s6;
	s7 =	simm.s32 @p2 $0x1082  }
0x22: {  	[simem:s7], [sflag:s8] =	dma.local @!p0 [hbm:s6], $0xF7A  }
0x23: {  	s9 =	sor.u32 $0xD0000000, s2;
	s6 =	simm.s32 $0x108;
	_ =	swait.ge @!p0 [sflag:s8], $0x0  }
0x24: {  	s3 =	sadd.s32 $0x88, s3;
	s6 =	simm.s32 @!p1 $0x1082;
	[sflag:s4] =	ssyncset.s32 $0xFFFFF086  }
0x25: {  	[simem:s6], [sflag:s4] =	dma.local [hbm:s3], $0xF7A  }
0x26: {  	[smem:$0x3F92] =	sst s1;
	(tag) =	ssettag s2;
	_ =	strace s9  }
0x27: {  	s1 =	sld [smem:$0x3FA2]  }
0x28: {  	s2 =	sld [smem:$0x3FA3]  }
0x29: {  	s4 =	sld [smem:$0x3FA5]  }
0x2a: {  	p0 =	seq.s32 s5, $0x0;
	s5 =	sld [smem:$0x3FA6]  }
0x2b: {  	s6 =	sld [smem:$0x3FA7]  }
0x2c: {  	s7 =	sld [smem:$0x3FA8]  }
0x2d: {  	s3 =	simm.s32 $0x108;
	s8 =	sld [smem:$0x3FA9]  }
0x2e: {  	s3 =	simm.s32 @!p0 $0x1082;
	s9 =	sld [smem:$0x3FAA]  }
0x2f: {  	lr =	sadd.s32 s0, s3;
	s0 =	sld [smem:$0x3FA1]  }
0x30: {  	s3 =	sld [smem:$0x3FA4]  }
0x31: {  	[smem:$0x3FAD] =	sst s10  }
0x32: {  	s10 =	sld [smem:$0x3FAB];
	_ =	sdelay $0x3  }
0x33: {  	p0 =	seq.s32 s10, $0x1;
	s10 =	sld [smem:$0x3FAD];
	_ =	sdelay $0x3  }
0x34: {  	[smem:$0x3FAD] =	sst s10  }
0x35: {  	s10 =	sld [smem:$0x3FAC];
	_ =	sdelay $0x3  }
0x36: {  	p1 =	seq.s32 s10, $0x1;
	s10 =	sld [smem:$0x3FAD];
	_ =	sdelay $0x3  }
0x37: {  	[smem:$0x3FAD] =	sst s10  }
0x38: {  	s10 =	sld [smem:$0x3FAE]  }
0x39: {  	_ = 	snop;
	(pc) =	sbr.ind lr, $3  }
0x3a: {  	_ = 	snop  }
0x3b: {  	_ = 	snop  }
0x3c: {  	p2 =	seq.s32 s10, $0x1;
	s10 =	sld [smem:$0x3FAD]  }
0x3d: {  	_ =	shalt  }
0x3e: {  	_ =	shalt  }
0x3f: {  	_ =	shalt  }
0x40: {  	_ =	shalt  }
0x41: {  	_ =	shalt  }
0x42: {  	_ =	shalt  }
0x43: {  	_ =	shalt  }
0x44: {  	_ =	shalt  }
0x45: {  	_ =	shalt  }
0x46: {  	_ =	shalt  }
0x47: {  	_ =	shalt  }
0x48: {  	_ =	shalt  }
0x49: {  	_ =	shalt  }
0x4a: {  	_ =	shalt  }
0x4b: {  	_ =	shalt  }
0x4c: {  	_ =	shalt  }
0x4d: {  	_ =	shalt  }
0x4e: {  	_ =	shalt  }
0x4f: {  	_ =	shalt  }
0x50: {  	_ =	shalt  }
0x51: {  	_ =	shalt  }
0x52: {  	_ =	shalt  }
0x53: {  	_ =	shalt  }
0x54: {  	_ =	shalt  }
0x55: {  	_ =	shalt  }
0x56: {  	_ =	shalt  }
0x57: {  	_ =	shalt  }
0x58: {  	_ =	shalt  }
0x59: {  	_ =	shalt  }
0x5a: {  	_ =	shalt  }
0x5b: {  	_ =	shalt  }
0x5c: {  	_ =	shalt  }
0x5d: {  	_ =	shalt  }
0x5e: {  	_ =	shalt  }
0x5f: {  	_ =	shalt  }
0x60: {  	_ =	shalt  }
0x61: {  	_ =	shalt  }
0x62: {  	_ =	shalt  }
0x63: {  	_ =	shalt  }
0x64: {  	_ =	shalt  }
0x65: {  	_ =	shalt  }
0x66: {  	_ =	shalt  }
0x67: {  	_ =	shalt  }
0x68: {  	_ =	shalt  }
0x69: {  	_ =	shalt  }
0x6a: {  	_ =	shalt  }
0x6b: {  	_ =	shalt  }
0x6c: {  	_ =	shalt  }
0x6d: {  	_ =	shalt  }
0x6e: {  	_ =	shalt  }
0x6f: {  	_ =	shalt  }
0x70: {  	_ =	shalt  }
0x71: {  	_ =	shalt  }
0x72: {  	_ =	shalt  }
0x73: {  	_ =	shalt  }
0x74: {  	_ =	shalt  }
0x75: {  	_ =	shalt  }
0x76: {  	_ =	shalt  }
0x77: {  	_ =	shalt  }
0x78: {  	_ =	shalt  }
0x79: {  	_ =	shalt  }
0x7a: {  	_ =	shalt  }
0x7b: {  	_ =	shalt  }
0x7c: {  	_ =	shalt  }
0x7d: {  	_ =	shalt  }
0x7e: {  	_ =	shalt  }
0x7f: {  	_ =	shalt  }
0x80: {  	_ =	shalt  }
0x81: {  	_ =	shalt  }
0x82: {  	_ =	shalt  }
0x83: {  	_ =	shalt  }
0x84: {  	_ =	shalt  }
0x85: {  	_ =	shalt  }
0x86: {  	_ =	shalt  }
0x87: {  	_ =	shalt  }
.Lfunc_end0:
.L_simem_size_0:
called_computation_lowered:
.L_overlay_start_0:
0x88: {  	s2 =	sld [smem:$0x3FD9]  }
0x89: {  	s3 =	sld [smem:$0x3FFE];
	_ =	sdelay $0x1  }
0x8a: {  	s1 =	srdreg.scid  }
0x8b: {  	s0 =	sand.u32 $0x1, s1  }
0x8c: {  	s16 =	sshll.u32 s0, $0xA;
	s2 =	sadd.s32 s3, s2  }
0x8d: {  	s2 =	sadd.s32 s2, s16  }
0x8e: {  	[smem:$0x3FB9] =	sst s2  }
0x8f: {  	_ = 	snop  }
0x90: {  	(tm) =	ssettm $0x1  }
0x91: {  	s17 =	sld [smem:$0x3FFB];
	_ =	sdelay $0x3  }
0x92: {  	_ =	strace s17  }
0x93: {  	s2 =	sld [smem:$0x3FFC];
	_ =	sdelay $0x3  }
0x94: {  	_ =	strace s2  }
0x95: {  	s2 =	sld [smem:$0x3FFD];
	_ =	sdelay $0x3  }
0x96: {  	_ =	strace s2  }
0x97: {  	_ =	strace $0x8FFFFFFF  }
0x98: {  	s18 =	sld [smem:$0x3FDB];
	_ =	sdelay $0x1  }
0x99: {  	s19 =	simm.s32 $_scs_section_size  }
0x9a: {  	s4 =	simm.s32 $_size__tile_overlayer_lowered;
	s5 =	simm.s32 $_tile_overlayer_lowered  }
0x9b: {  	s22 =	simm.s32 $0x1BFF;
	s21 =	sshll.u32 s5, $0x1;
	s2 =	sadd.s32 s19, s18  }
0x9c: {  	s6 =	simm.s32 $0x0;
	s20 =	sshll.u32 s4, $0x1;
	s4 =	sadd.s32 s21, s2  }
0x9d: {  	[timem:s6], [sflag:s22] =	dma.local [hbm:s4], s20  }
0x9e: {  	_ =	swait.ge [sflag:s22], s20  }
0x9f: {  	s3 =	ssub.s32 $0x0, s20;
	[sflag:s22] =	ssyncset.done $0x0  }
0xa0: {  	[sflag:s22] =	ssyncadd.s32 s3;
	_ =	sdelay $0x1  }
0xa1: {  	s23 =	simm.s32 $0x1B8B  }
0xa2: {  	_ =	swait.ge [sflag:s23], $0x1  }
0xa3: {  	[sflag:s23] =	ssyncset.done $0x0  }
0xa4: {  	s25 =	simm.s32 $0x1B8E;
	s24 =	sld [smem:$0x3FFE];
	[sflag:s23] =	ssyncadd.s32 $0xFFFFFFFF  }
0xa5: {  	s26 =	simm.s32 $execute0_lowered;
	[smem:$0x3FD2] =	sst s25  }
0xa6: {  	s4 =	sshll.u32 s26, $0x1;
	_ =	strace $0x80000046;
	[dreg:$0x1] =	wrdreg $0xFFFFFFFF  }
0xa7: {  	s28 =	simm.s32 $_size_execute0_lowered;
	s2 =	sadd.s32 s2, s4;
	[dreg:$0x0] =	wrdreg $0x0  }
0xa8: {  	s4 =	sshll.u32 s28, $0x1;
	[dreg:$0x2] =	wrdreg s2  }
0xa9: {  	[dreg:$0x3] =	wrdreg s4  }
0xaa: {  	[dreg:$0x4] =	wrdreg $0xC0  }
0xab: {  	_ =	task [dreg:s6], $0x5FFFF  }
0xac: {  	[dreg:$0x1] =	wrdreg $0xFFFFFFFF  }
0xad: {  	[dreg:$0x0] =	wrdreg $0x60  }
0xae: {  	[dreg:$0x2] =	wrdreg s24  }
0xaf: {  	[dreg:$0x3] =	wrdreg $0xA8000  }
0xb0: {  	[dreg:$0x4] =	wrdreg $0x9  }
0xb1: {  	_ =	task.clear_ibuf [dreg:s6], $0x5FFFF;
	_ =	strace $0x90000046  }
0xb2: {  	s29 =	simm.s32 $0x9;
	_ =	strace $0x80000048  }
0xb3: {  	_ =	swait.ge [sflag:s29], $0x1  }
0xb4: {  	[sflag:s29] =	ssyncadd.s32 $0xFFFFFFFF  }
0xb5: {  	_ =	strace $0x90000048  }
0xb6: {  	_ =	sfence  }
0xb7: {  	s30 =	sld [smem:$0x0];
	_ =	sdelay $0x2  }
0xb8: {  	s31 =	sshll.u32 s1, $0xD;
	s1 =	sshrl.u32 s1, $0x2  }
0xb9: {  	s3 =	sand.u32 $0x4000, s31;
	s1 =	sadd.s32 s1, s30  }
0xba: {  	s0 =	sor.u32 s3, s0;
	s1 =	sshll.u32 s1, $0x11  }
0xbb: {  	s0 =	sor.u32 s1, s0  }
0xbc: {  	s0 =	sadd.s32 $0x8F2B, s0  }
0xbd: {  	[sflag:s0] =	ssyncadd.remote.s32 $0x1  }
0xbe: {  	_ =	sfence.sel $0xFFFF  }
0xbf: {  	[dreg:$0x0] =	wrdreg $0xFFFFFFFF;
	(pc) =	sbr.abs _section_cstart, $3  }
0xc0: {  	[dreg:$0x1] =	wrdreg $0xFFFFFFFF  }
0xc1: {  	_ =	task.clear_ibuf [dreg:s6], $0x2FFFF;
	_ =	strace $0x9FFFFFFF  }
0xc2: {  	(tm) =	ssettm $0x7FFFFFFF  }
0xc3: {  	_ =	shalt  }
tec
execute0_lowered:
.L_overlay_start_1:
0x0: {  	(tag) =	ssettag $0x1  }
0x1: {  	s10 =	rddreg [dreg:$0x0]  }
0x2: {  	s1 =	rddreg [dreg:$0x1]  }
0x3: {  	s0 =	rddreg [dreg:$0x2];
	s2 =	simm.s32 $0x0;
	s5 =	srdreg.scid  }
0x4: {  	s3 =	stileid.u32;
	s16 =	simm.s32 $0x70800;
	s18 =	simm.s32 $0x6800  }
0x5: {  	s19 =	simm.s32 $0x1;
	s20 =	simm.s32 $0x2;
	s21 =	simm.s32 $0x1380  }
0x6: {  	s22 =	simm.s32 $0x2700;
	s23 =	simm.s32 $0x2780;
	s24 =	simm.s32 $0x0  }
0x7: {  	[smem:$0x7FF] =	sst s2;
	s4 =	sadd.s32 $0x5E00, s10;
	s9 =	sadd.s32 $0x39E00, s10  }
0x8: {  	s8 =	sand.u32 $0x1, s5;
	s11 =	sadd.s32 $0x2FE00, s10;
	s28 =	sshll.u32 s3, $0x1  }
0x9: {  	s13 =	smul.u32 $0x54000, s3;
	s5 =	sadd.s32 $0x43E00, s10;
	s30 =	sshll.u32 s3, $0x6  }
0xa: {  	s17 =	smul.u32 $0x2A00, s3;
	_ =	strace $0x80000047;
	s12 =	sor.u32 s8, s28  }
0xb: {  	s6 =	ssub.s32 $0x2, s8;
	p0 =	seq.s32 s8, $0x1;
	s15 =	smul.u32 $0x500, s12  }
0xc: {  	s7 =	sshrl.u32 s6, $0x1;
	s29 =	sshrl.u32 s13, $0x2;
	s12 =	smul.u32 $0x2800, s12  }
0xd: {  	s16 =	simm.s32 @!p0 $0x46800;
	s14 =	ssub.s32 s6, s7;
	s13 =	sadd.s32 s29, s1  }
0xe: {  	s6 =	sor.u32 $0x1C03, s30;
	s31 =	sadd.s32 s16, s10;
	s16 =	simm.s32 $0x80  }
0xf: {  	s7 =	sadd.s32 s9, s15;
	s12 =	sshrl.u32 s12, $0x3;
	s8 =	sadd.s32 s11, s15  }
0x10: {  	s13 =	sshrl.u32 s13, $0x3;
	s15 =	simm.s32 $0x1400;
	s12 =	sadd.s32 $0x280, s12  }
0x11: {  	s9 =	sadd.s32 s9, s12;
	s10 =	sadd.s32 s11, s12;
	s11 =	smax.u32 s14, $0x1  }
0x12: {  	s12 =	sadd.s32 s31, s17;
	s14 =	simm.s32 $0x3;
	s17 =	simm.s32 $0x2800  }
.LBB2_1:
0x13: {  	[spmem:s13], [sflag:s6] =	dma.local [hbm:s5], $0x2A00  }
0x14: {  	_ =	swait.ge [sflag:s14], $0x2A00  }
0x15: {  	[sflag:s14] =	ssyncset.done $0x0  }
0x16: {  	[sflag:s14] =	ssyncadd.s32 $0xFFFFD600  }
0x17: {  	[bflag:$0x0] =	sbarrier.arrive $0xFFFF  }
0x18: {  	[tilespmem:s2], [sflag:$0x3] =	stream.linear.gather [hbm4b:s7+s2], $0x1400, $0x38;
	[tilespmem:$0x1F800] =	vst v63  }
0x19: {  	_ =	swait.ge [sflag:s14], $0x1400  }
0x1a: {  	[sflag:s14] =	ssyncset.done $0x0  }
0x1b: {  	[sflag:s14] =	ssyncadd.s32 $0xFFFFEC00  }
0x1c: {  	[tilespmem:s15], [sflag:$0x3] =	stream.linear.gather [hbm4b:s8+s2], $0x1400, $0x38;
	[tilespmem:$0x1F800] =	vst v63  }
0x1d: {  	_ =	swait.ge [sflag:s14], $0x1400  }
0x1e: {  	[sflag:s14] =	ssyncset.done $0x0  }
0x1f: {  	[sflag:s14] =	ssyncadd.s32 $0xFFFFEC00  }
0x20: {  	[tilespmem:s17], [sflag:$0x1] =	stream.indirect.gather [hbm4b:s4+s16], $0x80, s2, s16, $0xb8;
	[tilespmem:$0x1F800] =	vst v63  }
0x21: {  	s25 =	simm.s32 $0x80  }
0x22: {  	[tilespmem:s18], [sflag:$0x2] =	stream.indirect.gather [hbm4b:s4+s16], $0x80, s25, s16, $0xb8;
	[tilespmem:$0x1F800] =	vst v63  }
0x23: {  	_ =	swait.ge [sflag:s19], $0x4000  }
0x24: {  	[sflag:s19] =	ssyncset.done $0x0  }
0x25: {  	s29 =	simm.s32 $0x1400;
	[sflag:s19] =	ssyncadd.s32 $0xFFFFC000  }
0x26: {  	[spmem:s1] =	stream.indirect.scatter.add.f32 [tilespmem:s17], [sflag:$0x3], $0x80, s29, s16, $0xb8;
	[tilespmem:$0x1F800] =	vst v63  }
0x27: {  	_ =	swait.ge [sflag:s14], $0x4000  }
0x28: {  	[sflag:s14] =	ssyncset.done $0x0  }
0x29: {  	s30 =	simm.s32 $0x100;
	[sflag:s14] =	ssyncadd.s32 $0xFFFFC000  }
0x2a: {  	[tilespmem:s17], [sflag:$0x1] =	stream.indirect.gather [hbm4b:s4+s16], $0x80, s30, s16, $0xb8;
	[tilespmem:$0x1F800] =	vst v63  }
0x2b: {  	_ =	swait.ge [sflag:s20], $0x4000  }
0x2c: {  	[sflag:s20] =	ssyncset.done $0x0  }
0x2d: {  	s31 =	simm.s32 $0x1480;
	[sflag:s20] =	ssyncadd.s32 $0xFFFFC000  }
0x2e: {  	[spmem:s1] =	stream.indirect.scatter.add.f32 [tilespmem:s18], [sflag:$0x3], $0x80, s31, s16, $0xb8;
	[tilespmem:$0x1F800] =	vst v63  }
0x2f: {  	_ =	swait.ge [sflag:s14], $0x4000  }
0x30: {  	s26 =	simm.s32 $0x800;
	s25 =	simm.s32 $0x100;
	[sflag:s14] =	ssyncset.done $0x0  }
.LBB2_2:
0x31: {  	s28 =	sadd.s32 $0x80, s25  }
0x32: {  	[sflag:s14] =	ssyncadd.s32 $0xFFFFC000;
	s29 =	smov.u32 s26;
	s30 =	sadd.s32 $0x400, s26  }
0x33: {  	[tilespmem:s18], [sflag:$0x2] =	stream.indirect.gather [hbm4b:s4+s16], $0x80, s28, s16, $0xb8;
	[tilespmem:$0x1F800] =	vst v63  }
0x34: {  	p0 =	sne.s32 s26, $0x4800;
	_ =	swait.ge [sflag:s19], $0x4000  }
0x35: {  	[sflag:s19] =	ssyncset.done $0x0  }
0x36: {  	s26 =	sadd.s32 $0x1400, s25;
	[sflag:s19] =	ssyncadd.s32 $0xFFFFC000  }
0x37: {  	[spmem:s1] =	stream.indirect.scatter.add.f32 [tilespmem:s17], [sflag:$0x3], $0x80, s26, s16, $0xb8;
	[tilespmem:$0x1F800] =	vst v63  }
0x38: {  	_ =	swait.ge [sflag:s14], $0x4000  }
0x39: {  	[sflag:s14] =	ssyncset.done $0x0  }
0x3a: {  	s26 =	sadd.s32 $0x100, s25;
	[sflag:s14] =	ssyncadd.s32 $0xFFFFC000  }
0x3b: {  	[tilespmem:s17], [sflag:$0x1] =	stream.indirect.gather [hbm4b:s4+s16], $0x80, s26, s16, $0xb8;
	[tilespmem:$0x1F800] =	vst v63  }
0x3c: {  	_ =	swait.ge [sflag:s20], $0x4000  }
.Ltmp0:
0x3d: {  	[sflag:s20] =	ssyncset.done $0x0;
	(pc) =	sbr.rel @p0 .LBB2_2-.Ltmp0, $4  }
0x3e: {  	s25 =	sadd.s32 $0x1480, s25;
	[sflag:s20] =	ssyncadd.s32 $0xFFFFC000  }
0x3f: {  	[spmem:s1] =	stream.indirect.scatter.add.f32 [tilespmem:s18], [sflag:$0x3], $0x80, s25, s16, $0xb8;
	[tilespmem:$0x1F800] =	vst v63  }
0x40: {  	_ =	swait.ge [sflag:s14], $0x4000  }
0x41: {  	s26 =	smov.u32 s30;
	s25 =	sshra.s32 s29, $0x2;
	[sflag:s14] =	ssyncset.done $0x0  }
0x42: {  	s26 =	sadd.s32 $0x80, s25;
	[sflag:s14] =	ssyncadd.s32 $0xFFFFC000  }
0x43: {  	[tilespmem:s18], [sflag:$0x2] =	stream.indirect.gather [hbm4b:s4+s16], $0x80, s26, s16, $0xb8;
	[tilespmem:$0x1F800] =	vst v63  }
0x44: {  	_ =	swait.ge [sflag:s19], $0x4000  }
0x45: {  	[sflag:s19] =	ssyncset.done $0x0  }
0x46: {  	s29 =	sadd.s32 $0x1400, s25;
	[sflag:s19] =	ssyncadd.s32 $0xFFFFC000  }
0x47: {  	[spmem:s1] =	stream.indirect.scatter.add.f32 [tilespmem:s17], [sflag:$0x3], $0x80, s29, s16, $0xb8;
	[tilespmem:$0x1F800] =	vst v63  }
0x48: {  	_ =	swait.ge [sflag:s14], $0x4000  }
0x49: {  	[sflag:s14] =	ssyncset.done $0x0  }
0x4a: {  	s30 =	sadd.s32 $0x100, s25;
	[sflag:s14] =	ssyncadd.s32 $0xFFFFC000  }
0x4b: {  	[tilespmem:s17], [sflag:$0x1] =	stream.indirect.gather [hbm4b:s4+s16], $0x80, s30, s16, $0xb8;
	[tilespmem:$0x1F800] =	vst v63  }
0x4c: {  	_ =	swait.ge [sflag:s20], $0x4000  }
0x4d: {  	[sflag:s20] =	ssyncset.done $0x0  }
0x4e: {  	s31 =	sadd.s32 $0x1480, s25;
	[sflag:s20] =	ssyncadd.s32 $0xFFFFC000  }
0x4f: {  	[spmem:s1] =	stream.indirect.scatter.add.f32 [tilespmem:s18], [sflag:$0x3], $0x80, s31, s16, $0xb8;
	[tilespmem:$0x1F800] =	vst v63  }
0x50: {  	_ =	swait.ge [sflag:s14], $0x4000  }
0x51: {  	[sflag:s14] =	ssyncset.done $0x0  }
0x52: {  	[sflag:s14] =	ssyncadd.s32 $0xFFFFC000  }
0x53: {  	[tilespmem:s18], [sflag:$0x2] =	stream.indirect.gather [hbm4b:s4+s16], $0x80, s21, s16, $0xb8;
	[tilespmem:$0x1F800] =	vst v63  }
0x54: {  	_ =	swait.ge [sflag:s19], $0x4000  }
0x55: {  	[sflag:s19] =	ssyncset.done $0x0  }
0x56: {  	[sflag:s19] =	ssyncadd.s32 $0xFFFFC000  }
0x57: {  	[spmem:s1] =	stream.indirect.scatter.add.f32 [tilespmem:s17], [sflag:$0x3], $0x80, s22, s16, $0xb8;
	[tilespmem:$0x1F800] =	vst v63  }
0x58: {  	_ =	swait.ge [sflag:s14], $0x4000  }
0x59: {  	[sflag:s14] =	ssyncset.done $0x0  }
0x5a: {  	[sflag:s14] =	ssyncadd.s32 $0xFFFFC000  }
0x5b: {  	_ =	swait.ge [sflag:s20], $0x4000  }
0x5c: {  	[sflag:s20] =	ssyncset.done $0x0  }
0x5d: {  	[sflag:s20] =	ssyncadd.s32 $0xFFFFC000  }
0x5e: {  	[spmem:s1] =	stream.indirect.scatter.add.f32 [tilespmem:s18], [sflag:$0x3], $0x80, s23, s16, $0xb8;
	[tilespmem:$0x1F800] =	vst v63  }
0x5f: {  	_ =	swait.ge [sflag:s14], $0x4000  }
0x60: {  	[sflag:s14] =	ssyncset.done $0x0  }
0x61: {  	s26 =	simm.s32 $0x0;
	[sflag:s14] =	ssyncadd.s32 $0xFFFFC000  }
0x62: {  	[tilespmem:s26], [sflag:$0x3] =	stream.linear.gather [hbm4b:s9+s26], $0x1400, $0x38;
	[tilespmem:$0x1F800] =	vst v63  }
0x63: {  	_ =	swait.ge [sflag:s14], $0x1400  }
0x64: {  	[sflag:s14] =	ssyncset.done $0x0  }
0x65: {  	[sflag:s14] =	ssyncadd.s32 $0xFFFFEC00  }
0x66: {  	[tilespmem:s15], [sflag:$0x3] =	stream.linear.gather [hbm4b:s10+s26], $0x1400, $0x38;
	[tilespmem:$0x1F800] =	vst v63  }
0x67: {  	_ =	swait.ge [sflag:s14], $0x1400  }
0x68: {  	[sflag:s14] =	ssyncset.done $0x0  }
0x69: {  	[sflag:s14] =	ssyncadd.s32 $0xFFFFEC00  }
0x6a: {  	[tilespmem:s17], [sflag:$0x1] =	stream.indirect.gather [hbm4b:s4+s16], $0x80, s26, s16, $0xb8;
	[tilespmem:$0x1F800] =	vst v63  }
0x6b: {  	s28 =	simm.s32 $0x80  }
0x6c: {  	[tilespmem:s18], [sflag:$0x2] =	stream.indirect.gather [hbm4b:s4+s16], $0x80, s28, s16, $0xb8;
	[tilespmem:$0x1F800] =	vst v63  }
0x6d: {  	_ =	swait.ge [sflag:s19], $0x4000  }
0x6e: {  	[sflag:s19] =	ssyncset.done $0x0  }
0x6f: {  	s29 =	simm.s32 $0x1400;
	[sflag:s19] =	ssyncadd.s32 $0xFFFFC000  }
0x70: {  	[spmem:s1] =	stream.indirect.scatter.add.f32 [tilespmem:s17], [sflag:$0x3], $0x80, s29, s16, $0xb8;
	[tilespmem:$0x1F800] =	vst v63  }
0x71: {  	_ =	swait.ge [sflag:s14], $0x4000  }
0x72: {  	[sflag:s14] =	ssyncset.done $0x0  }
0x73: {  	s30 =	simm.s32 $0x100;
	[sflag:s14] =	ssyncadd.s32 $0xFFFFC000  }
0x74: {  	[tilespmem:s17], [sflag:$0x1] =	stream.indirect.gather [hbm4b:s4+s16], $0x80, s30, s16, $0xb8;
	[tilespmem:$0x1F800] =	vst v63  }
0x75: {  	_ =	swait.ge [sflag:s20], $0x4000  }
0x76: {  	[sflag:s20] =	ssyncset.done $0x0  }
0x77: {  	s31 =	simm.s32 $0x1480;
	[sflag:s20] =	ssyncadd.s32 $0xFFFFC000  }
0x78: {  	[spmem:s1] =	stream.indirect.scatter.add.f32 [tilespmem:s18], [sflag:$0x3], $0x80, s31, s16, $0xb8;
	[tilespmem:$0x1F800] =	vst v63  }
0x79: {  	_ =	swait.ge [sflag:s14], $0x4000  }
0x7a: {  	s25 =	simm.s32 $0x100;
	s26 =	simm.s32 $0x800;
	[sflag:s14] =	ssyncset.done $0x0  }
.LBB2_4:
0x7b: {  	s28 =	sadd.s32 $0x80, s25  }
0x7c: {  	[sflag:s14] =	ssyncadd.s32 $0xFFFFC000;
	s29 =	smov.u32 s26;
	s30 =	sadd.s32 $0x400, s26  }
0x7d: {  	[tilespmem:s18], [sflag:$0x2] =	stream.indirect.gather [hbm4b:s4+s16], $0x80, s28, s16, $0xb8;
	[tilespmem:$0x1F800] =	vst v63  }
0x7e: {  	p0 =	sne.s32 s26, $0x4800;
	_ =	swait.ge [sflag:s19], $0x4000  }
0x7f: {  	[sflag:s19] =	ssyncset.done $0x0  }
0x80: {  	s26 =	sadd.s32 $0x1400, s25;
	[sflag:s19] =	ssyncadd.s32 $0xFFFFC000  }
0x81: {  	[spmem:s1] =	stream.indirect.scatter.add.f32 [tilespmem:s17], [sflag:$0x3], $0x80, s26, s16, $0xb8;
	[tilespmem:$0x1F800] =	vst v63  }
0x82: {  	_ =	swait.ge [sflag:s14], $0x4000  }
0x83: {  	[sflag:s14] =	ssyncset.done $0x0  }
0x84: {  	s26 =	sadd.s32 $0x100, s25;
	[sflag:s14] =	ssyncadd.s32 $0xFFFFC000  }
0x85: {  	[tilespmem:s17], [sflag:$0x1] =	stream.indirect.gather [hbm4b:s4+s16], $0x80, s26, s16, $0xb8;
	[tilespmem:$0x1F800] =	vst v63  }
0x86: {  	_ =	swait.ge [sflag:s20], $0x4000  }
.Ltmp1:
0x87: {  	[sflag:s20] =	ssyncset.done $0x0;
	(pc) =	sbr.rel @p0 .LBB2_4-.Ltmp1, $4  }
0x88: {  	s25 =	sadd.s32 $0x1480, s25;
	[sflag:s20] =	ssyncadd.s32 $0xFFFFC000  }
0x89: {  	[spmem:s1] =	stream.indirect.scatter.add.f32 [tilespmem:s18], [sflag:$0x3], $0x80, s25, s16, $0xb8;
	[tilespmem:$0x1F800] =	vst v63  }
0x8a: {  	_ =	swait.ge [sflag:s14], $0x4000  }
0x8b: {  	s26 =	smov.u32 s30;
	s25 =	sshra.s32 s29, $0x2;
	[sflag:s14] =	ssyncset.done $0x0  }
0x8c: {  	s26 =	sadd.s32 $0x80, s25;
	[sflag:s14] =	ssyncadd.s32 $0xFFFFC000  }
0x8d: {  	[tilespmem:s18], [sflag:$0x2] =	stream.indirect.gather [hbm4b:s4+s16], $0x80, s26, s16, $0xb8;
	[tilespmem:$0x1F800] =	vst v63  }
0x8e: {  	_ =	swait.ge [sflag:s19], $0x4000  }
0x8f: {  	[sflag:s19] =	ssyncset.done $0x0  }
0x90: {  	s29 =	sadd.s32 $0x1400, s25;
	[sflag:s19] =	ssyncadd.s32 $0xFFFFC000  }
0x91: {  	[spmem:s1] =	stream.indirect.scatter.add.f32 [tilespmem:s17], [sflag:$0x3], $0x80, s29, s16, $0xb8;
	[tilespmem:$0x1F800] =	vst v63  }
0x92: {  	_ =	swait.ge [sflag:s14], $0x4000  }
0x93: {  	[sflag:s14] =	ssyncset.done $0x0  }
0x94: {  	s30 =	sadd.s32 $0x100, s25;
	[sflag:s14] =	ssyncadd.s32 $0xFFFFC000  }
0x95: {  	[tilespmem:s17], [sflag:$0x1] =	stream.indirect.gather [hbm4b:s4+s16], $0x80, s30, s16, $0xb8;
	[tilespmem:$0x1F800] =	vst v63  }
0x96: {  	_ =	swait.ge [sflag:s20], $0x4000  }
0x97: {  	[sflag:s20] =	ssyncset.done $0x0  }
0x98: {  	s31 =	sadd.s32 $0x1480, s25;
	[sflag:s20] =	ssyncadd.s32 $0xFFFFC000  }
0x99: {  	[spmem:s1] =	stream.indirect.scatter.add.f32 [tilespmem:s18], [sflag:$0x3], $0x80, s31, s16, $0xb8;
	[tilespmem:$0x1F800] =	vst v63  }
0x9a: {  	_ =	swait.ge [sflag:s14], $0x4000  }
0x9b: {  	[sflag:s14] =	ssyncset.done $0x0  }
0x9c: {  	[sflag:s14] =	ssyncadd.s32 $0xFFFFC000  }
0x9d: {  	[tilespmem:s18], [sflag:$0x2] =	stream.indirect.gather [hbm4b:s4+s16], $0x80, s21, s16, $0xb8;
	[tilespmem:$0x1F800] =	vst v63  }
0x9e: {  	_ =	swait.ge [sflag:s19], $0x4000  }
0x9f: {  	[sflag:s19] =	ssyncset.done $0x0  }
0xa0: {  	[sflag:s19] =	ssyncadd.s32 $0xFFFFC000  }
0xa1: {  	[spmem:s1] =	stream.indirect.scatter.add.f32 [tilespmem:s17], [sflag:$0x3], $0x80, s22, s16, $0xb8;
	[tilespmem:$0x1F800] =	vst v63  }
0xa2: {  	_ =	swait.ge [sflag:s14], $0x4000  }
0xa3: {  	[sflag:s14] =	ssyncset.done $0x0  }
0xa4: {  	[sflag:s14] =	ssyncadd.s32 $0xFFFFC000  }
0xa5: {  	_ =	swait.ge [sflag:s20], $0x4000  }
0xa6: {  	[sflag:s20] =	ssyncset.done $0x0  }
0xa7: {  	[sflag:s20] =	ssyncadd.s32 $0xFFFFC000  }
0xa8: {  	[spmem:s1] =	stream.indirect.scatter.add.f32 [tilespmem:s18], [sflag:$0x3], $0x80, s23, s16, $0xb8;
	[tilespmem:$0x1F800] =	vst v63  }
0xa9: {  	_ =	swait.ge [sflag:s14], $0x4000  }
0xaa: {  	s24 =	sadd.s32 $0x1, s24;
	[sflag:s14] =	ssyncset.done $0x0  }
0xab: {  	p0 =	sne.s32 s24, s11;
	[sflag:s14] =	ssyncadd.s32 $0xFFFFC000  }
.Ltmp2:
0xac: {  	[bflag:$0x0] =	sbarrier.arrive $0xFFFF;
	(pc) =	sbr.rel @p0 .LBB2_1-.Ltmp2, $4  }
0xad: {  	[hbm:s12], [sflag:s6] =	dma.local [spmem:s13], $0x2A00  }
0xae: {  	_ =	swait.ge [sflag:s14], $0x2A00  }
0xaf: {  	[sflag:s14] =	ssyncset.done $0x0  }
0xb0: {  	[sflag:s14] =	ssyncadd.s32 $0xFFFFD600  }
0xb1: {  	_ =	sfence.sel $0x180000  }
0xb2: {  	[bflag:$0x0] =	sbarrier.arrive $0xFFFF  }
0xb3: {  	p0 =	sne.s32 s3, $0x0;
	_ =	strace $0x90000047  }
0xb4: {  	s0 =	sadd.s32 @!p0 $0x100000, s0;
	[bflag:$0x2] =	sbarrier.arrive $0xFFFF  }
0xb5: {  	[sflag:s0] =	ssyncadd.tile.s32 @!p0 $0x1;
	_ =	shalt  }
.Lfunc_end2:
_tile_overlayer_lowered:
.L_overlay_start_2:
0xb6: {  	(tag) =	ssettag $0x2  }
0xb7: {  	s0 =	rddreg [dreg:$0x0];
	s2 =	stileid.u32  }
0xb8: {  	s1 =	rddreg [dreg:$0x1];
	p0 =	sne.s32 s2, $0x0  }
0xb9: {  	s3 =	rddreg [dreg:$0x2];
	[bflag:$0x3] =	sbarrier.arrive $0xFFFF;
	s2 =	simm.s32 @!p0 $0x1C03  }
0xba: {  	[timem:s3], [sflag:s2] =	dma.local @!p0 [hbm:s0], s1  }
0xbb: {  	s0 =	simm.s32 @!p0 $0x3  }
0xbc: {  	_ =	swait.ge @!p0 [sflag:s0], s1  }
0xbd: {  	s1 =	ssub.s32 @!p0 $0x0, s1;
	[sflag:s0] =	ssyncset.done @!p0 $0x0  }
0xbe: {  	[sflag:s0] =	ssyncadd.s32 @!p0 s1  }
0xbf: {  	[bflag:$0x3] =	sbarrier.arrive $0xFFFF  }
0xc0: {  	_ =	shalt  }

// kernel: kernel.14.cloned.1.call-start
scs
__scs_entry_jumppad:
0x0: {  	(pc) =	sbr.rel $0x88, $3  }
0x1: {  	(tag) =	ssettag $0x0;
	lr =	simm.s32 $0x1  }
0x2: {  	[smem:$0x3F92] =	sst lr;
	_ =	strace $0xD0000000  }
0x3: {  	_ = 	snop  }
0x4: {  	_ = 	snop  }
0x5: {  	_ = 	snop  }
0x6: {  	_ = 	snop  }
0x7: {  	_ = 	snop  }
__scs_overlays_trampoline_lowered:
0x8: {  	[smem:$0x3FA1] =	sst s0  }
0x9: {  	[smem:$0x3FA2] =	sst s1  }
0xa: {  	[smem:$0x3FA3] =	sst s2  }
0xb: {  	[smem:$0x3FA4] =	sst s3  }
0xc: {  	[smem:$0x3FA5] =	sst s4  }
0xd: {  	[smem:$0x3FA6] =	sst s5  }
0xe: {  	[smem:$0x3FA7] =	sst s6  }
0xf: {  	[smem:$0x3FA8] =	sst s7  }
0x10: {  	[smem:$0x3FA9] =	sst s8  }
0x11: {  	[smem:$0x3FAA] =	sst s9;
	s0 =	simm.s32 @!p0 $0x0  }
0x12: {  	s1 =	sld [smem:$0x3F90];
	s0 =	simm.s32 @p0 $0x1  }
0x13: {  	[smem:$0x3FAB] =	sst s0;
	s0 =	simm.s32 @!p1 $0x0  }
0x14: {  	s2 =	sld [smem:$0x3F8F];
	s0 =	simm.s32 @p1 $0x1  }
0x15: {  	[smem:$0x3FAC] =	sst s0;
	s0 =	simm.s32 @!p2 $0x0  }
0x16: {  	s3 =	sld [smem:$0x3FDB];
	s0 =	simm.s32 @p2 $0x1  }
0x17: {  	s4 =	simm.s32 $0x1BF5;
	[smem:$0x3FAE] =	sst s0  }
0x18: {  	s0 =	sld [smem:$0x3F91];
	_ =	swait.ge [sflag:s4], $0x0  }
0x19: {  	s7 =	sld [smem:$0x3F92]  }
0x1a: {  	s8 =	sadd.s32 $0xFFFFE003, lr  }
0x1b: {  	s9 =	sadd.s32 $0xFFFFFEF7, lr;
	s5 =	simm.s32 $0xFFFFFFFF;
	p2 =	slt.u32 s8, $0xFFFFF086  }
0x1c: {  	p1 =	slt.u32 s9, $0xF7A;
	s5 =	simm.s32 @!p2 $0x0  }
0x1d: {  	s5 =	simm.s32 @p1 $0x1;
	p0 =	seq.s32 s7, s2  }
0x1e: {  	s7 =	smul.u32 @!p0 $0xF7A, s2;
	p2 =	seq.s32 @!p0 s5, $0x0  }
0x1f: {  	s9 =	smul.u32 $0xF7A, s1;
	s8 =	simm.s32 @!p0 $0x1BF5;
	p2 =	por !p2, p0  }
0x20: {  	[sflag:s8] =	ssyncset.s32 @!p0 $0xFFFFF086;
	s6 =	sadd.s32 @!p0 s3, s7;
	s7 =	simm.s32 @!p0 $0x108  }
0x21: {  	s3 =	sadd.s32 s3, s9;
	s6 =	sadd.s32 @!p0 $0x88, s6;
	s7 =	simm.s32 @p2 $0x1082  }
0x22: {  	[simem:s7], [sflag:s8] =	dma.local @!p0 [hbm:s6], $0xF7A  }
0x23: {  	s9 =	sor.u32 $0xD0000000, s2;
	s6 =	simm.s32 $0x108;
	_ =	swait.ge @!p0 [sflag:s8], $0x0  }
0x24: {  	s3 =	sadd.s32 $0x88, s3;
	s6 =	simm.s32 @!p1 $0x1082;
	[sflag:s4] =	ssyncset.s32 $0xFFFFF086  }
0x25: {  	[simem:s6], [sflag:s4] =	dma.local [hbm:s3], $0xF7A  }
0x26: {  	[smem:$0x3F92] =	sst s1;
	(tag) =	ssettag s2;
	_ =	strace s9  }
0x27: {  	s1 =	sld [smem:$0x3FA2]  }
0x28: {  	s2 =	sld [smem:$0x3FA3]  }
0x29: {  	s4 =	sld [smem:$0x3FA5]  }
0x2a: {  	p0 =	seq.s32 s5, $0x0;
	s5 =	sld [smem:$0x3FA6]  }
0x2b: {  	s6 =	sld [smem:$0x3FA7]  }
0x2c: {  	s7 =	sld [smem:$0x3FA8]  }
0x2d: {  	s3 =	simm.s32 $0x108;
	s8 =	sld [smem:$0x3FA9]  }
0x2e: {  	s3 =	simm.s32 @!p0 $0x1082;
	s9 =	sld [smem:$0x3FAA]  }
0x2f: {  	lr =	sadd.s32 s0, s3;
	s0 =	sld [smem:$0x3FA1]  }
0x30: {  	s3 =	sld [smem:$0x3FA4]  }
0x31: {  	[smem:$0x3FAD] =	sst s10  }
0x32: {  	s10 =	sld [smem:$0x3FAB];
	_ =	sdelay $0x3  }
0x33: {  	p0 =	seq.s32 s10, $0x1;
	s10 =	sld [smem:$0x3FAD];
	_ =	sdelay $0x3  }
0x34: {  	[smem:$0x3FAD] =	sst s10  }
0x35: {  	s10 =	sld [smem:$0x3FAC];
	_ =	sdelay $0x3  }
0x36: {  	p1 =	seq.s32 s10, $0x1;
	s10 =	sld [smem:$0x3FAD];
	_ =	sdelay $0x3  }
0x37: {  	[smem:$0x3FAD] =	sst s10  }
0x38: {  	s10 =	sld [smem:$0x3FAE]  }
0x39: {  	_ = 	snop;
	(pc) =	sbr.ind lr, $3  }
0x3a: {  	_ = 	snop  }
0x3b: {  	_ = 	snop  }
0x3c: {  	p2 =	seq.s32 s10, $0x1;
	s10 =	sld [smem:$0x3FAD]  }
0x3d: {  	_ =	shalt  }
0x3e: {  	_ =	shalt  }
0x3f: {  	_ =	shalt  }
0x40: {  	_ =	shalt  }
0x41: {  	_ =	shalt  }
0x42: {  	_ =	shalt  }
0x43: {  	_ =	shalt  }
0x44: {  	_ =	shalt  }
0x45: {  	_ =	shalt  }
0x46: {  	_ =	shalt  }
0x47: {  	_ =	shalt  }
0x48: {  	_ =	shalt  }
0x49: {  	_ =	shalt  }
0x4a: {  	_ =	shalt  }
0x4b: {  	_ =	shalt  }
0x4c: {  	_ =	shalt  }
0x4d: {  	_ =	shalt  }
0x4e: {  	_ =	shalt  }
0x4f: {  	_ =	shalt  }
0x50: {  	_ =	shalt  }
0x51: {  	_ =	shalt  }
0x52: {  	_ =	shalt  }
0x53: {  	_ =	shalt  }
0x54: {  	_ =	shalt  }
0x55: {  	_ =	shalt  }
0x56: {  	_ =	shalt  }
0x57: {  	_ =	shalt  }
0x58: {  	_ =	shalt  }
0x59: {  	_ =	shalt  }
0x5a: {  	_ =	shalt  }
0x5b: {  	_ =	shalt  }
0x5c: {  	_ =	shalt  }
0x5d: {  	_ =	shalt  }
0x5e: {  	_ =	shalt  }
0x5f: {  	_ =	shalt  }
0x60: {  	_ =	shalt  }
0x61: {  	_ =	shalt  }
0x62: {  	_ =	shalt  }
0x63: {  	_ =	shalt  }
0x64: {  	_ =	shalt  }
0x65: {  	_ =	shalt  }
0x66: {  	_ =	shalt  }
0x67: {  	_ =	shalt  }
0x68: {  	_ =	shalt  }
0x69: {  	_ =	shalt  }
0x6a: {  	_ =	shalt  }
0x6b: {  	_ =	shalt  }
0x6c: {  	_ =	shalt  }
0x6d: {  	_ =	shalt  }
0x6e: {  	_ =	shalt  }
0x6f: {  	_ =	shalt  }
0x70: {  	_ =	shalt  }
0x71: {  	_ =	shalt  }
0x72: {  	_ =	shalt  }
0x73: {  	_ =	shalt  }
0x74: {  	_ =	shalt  }
0x75: {  	_ =	shalt  }
0x76: {  	_ =	shalt  }
0x77: {  	_ =	shalt  }
0x78: {  	_ =	shalt  }
0x79: {  	_ =	shalt  }
0x7a: {  	_ =	shalt  }
0x7b: {  	_ =	shalt  }
0x7c: {  	_ =	shalt  }
0x7d: {  	_ =	shalt  }
0x7e: {  	_ =	shalt  }
0x7f: {  	_ =	shalt  }
0x80: {  	_ =	shalt  }
0x81: {  	_ =	shalt  }
0x82: {  	_ =	shalt  }
0x83: {  	_ =	shalt  }
0x84: {  	_ =	shalt  }
0x85: {  	_ =	shalt  }
0x86: {  	_ =	shalt  }
0x87: {  	_ =	shalt  }
.Lfunc_end0:
.L_simem_size_0:
called_computation.1_lowered:
.L_overlay_start_0:
0x88: {  	s2 =	sld [smem:$0x3FD9]  }
0x89: {  	s3 =	sld [smem:$0x3FFE];
	_ =	sdelay $0x1  }
0x8a: {  	s1 =	srdreg.scid  }
0x8b: {  	s0 =	sand.u32 $0x1, s1  }
0x8c: {  	s16 =	sshll.u32 s0, $0xA;
	s2 =	sadd.s32 s3, s2  }
0x8d: {  	s2 =	sadd.s32 s2, s16  }
0x8e: {  	[smem:$0x3FB9] =	sst s2  }
0x8f: {  	_ = 	snop  }
0x90: {  	(tm) =	ssettm $0x1  }
0x91: {  	s17 =	sld [smem:$0x3FFB];
	_ =	sdelay $0x3  }
0x92: {  	_ =	strace s17  }
0x93: {  	s2 =	sld [smem:$0x3FFC];
	_ =	sdelay $0x3  }
0x94: {  	_ =	strace s2  }
0x95: {  	s2 =	sld [smem:$0x3FFD];
	_ =	sdelay $0x3  }
0x96: {  	_ =	strace s2  }
0x97: {  	_ =	strace $0x8FFFFFFF  }
0x98: {  	s18 =	sld [smem:$0x3FDB];
	_ =	sdelay $0x1  }
0x99: {  	s19 =	simm.s32 $_scs_section_size  }
0x9a: {  	s4 =	simm.s32 $_size__tile_overlayer_lowered;
	s5 =	simm.s32 $_tile_overlayer_lowered  }
0x9b: {  	s22 =	simm.s32 $0x1BFF;
	s21 =	sshll.u32 s5, $0x1;
	s2 =	sadd.s32 s19, s18  }
0x9c: {  	s6 =	simm.s32 $0x0;
	s20 =	sshll.u32 s4, $0x1;
	s4 =	sadd.s32 s21, s2  }
0x9d: {  	[timem:s6], [sflag:s22] =	dma.local [hbm:s4], s20  }
0x9e: {  	_ =	swait.ge [sflag:s22], s20  }
0x9f: {  	s3 =	ssub.s32 $0x0, s20;
	[sflag:s22] =	ssyncset.done $0x0  }
0xa0: {  	[sflag:s22] =	ssyncadd.s32 s3;
	_ =	sdelay $0x1  }
0xa1: {  	s23 =	simm.s32 $0x1B8B  }
0xa2: {  	_ =	swait.ge [sflag:s23], $0x1  }
0xa3: {  	[sflag:s23] =	ssyncset.done $0x0  }
0xa4: {  	s25 =	simm.s32 $0x1B8E;
	s24 =	sld [smem:$0x3FFE];
	[sflag:s23] =	ssyncadd.s32 $0xFFFFFFFF  }
0xa5: {  	s26 =	simm.s32 $execute0_lowered;
	[smem:$0x3FD2] =	sst s25  }
0xa6: {  	s4 =	sshll.u32 s26, $0x1;
	_ =	strace $0x80000049;
	[dreg:$0x1] =	wrdreg $0xFFFFFFFF  }
0xa7: {  	s28 =	simm.s32 $_size_execute0_lowered;
	s2 =	sadd.s32 s2, s4;
	[dreg:$0x0] =	wrdreg $0x0  }
0xa8: {  	s4 =	sshll.u32 s28, $0x1;
	[dreg:$0x2] =	wrdreg s2  }
0xa9: {  	[dreg:$0x3] =	wrdreg s4  }
0xaa: {  	[dreg:$0x4] =	wrdreg $0xC0  }
0xab: {  	_ =	task [dreg:s6], $0x5FFFF  }
0xac: {  	[dreg:$0x1] =	wrdreg $0xFFFFFFFF  }
0xad: {  	[dreg:$0x0] =	wrdreg $0x60  }
0xae: {  	[dreg:$0x2] =	wrdreg s24  }
0xaf: {  	[dreg:$0x3] =	wrdreg $0xA8000  }
0xb0: {  	[dreg:$0x4] =	wrdreg $0x9  }
0xb1: {  	_ =	task.clear_ibuf [dreg:s6], $0x5FFFF;
	_ =	strace $0x90000049  }
0xb2: {  	s29 =	simm.s32 $0x9;
	_ =	strace $0x8000004B  }
0xb3: {  	_ =	swait.ge [sflag:s29], $0x1  }
0xb4: {  	[sflag:s29] =	ssyncadd.s32 $0xFFFFFFFF  }
0xb5: {  	_ =	strace $0x9000004B  }
0xb6: {  	_ =	sfence  }
0xb7: {  	s30 =	sld [smem:$0x0];
	_ =	sdelay $0x2  }
0xb8: {  	s31 =	sshll.u32 s1, $0xD;
	s1 =	sshrl.u32 s1, $0x2  }
0xb9: {  	s3 =	sand.u32 $0x4000, s31;
	s1 =	sadd.s32 s1, s30  }
0xba: {  	s0 =	sor.u32 s3, s0;
	s1 =	sshll.u32 s1, $0x11  }
0xbb: {  	s0 =	sor.u32 s1, s0  }
0xbc: {  	s0 =	sadd.s32 $0x8F2B, s0  }
0xbd: {  	[sflag:s0] =	ssyncadd.remote.s32 $0x1  }
0xbe: {  	_ =	sfence.sel $0xFFFF  }
0xbf: {  	[dreg:$0x0] =	wrdreg $0xFFFFFFFF;
	(pc) =	sbr.abs _section_cstart, $3  }
0xc0: {  	[dreg:$0x1] =	wrdreg $0xFFFFFFFF  }
0xc1: {  	_ =	task.clear_ibuf [dreg:s6], $0x2FFFF;
	_ =	strace $0x9FFFFFFF  }
0xc2: {  	(tm) =	ssettm $0x7FFFFFFF  }
0xc3: {  	_ =	shalt  }
tec
execute0_lowered:
.L_overlay_start_1:
0x0: {  	(tag) =	ssettag $0x1  }
0x1: {  	s10 =	rddreg [dreg:$0x0]  }
0x2: {  	s1 =	rddreg [dreg:$0x1]  }
0x3: {  	s0 =	rddreg [dreg:$0x2];
	s2 =	simm.s32 $0x0;
	s5 =	srdreg.scid  }
0x4: {  	s3 =	stileid.u32;
	s16 =	simm.s32 $0xEEE00;
	s18 =	simm.s32 $0x6800  }
0x5: {  	s19 =	simm.s32 $0x1;
	s20 =	simm.s32 $0x2;
	s21 =	simm.s32 $0x1380  }
0x6: {  	s22 =	simm.s32 $0x2700;
	s23 =	simm.s32 $0x2780;
	s24 =	simm.s32 $0x0  }
0x7: {  	[smem:$0x7FF] =	sst s2;
	s4 =	sadd.s32 $0x46800, s10;
	s9 =	sadd.s32 $0x39E00, s10  }
0x8: {  	s8 =	sand.u32 $0x1, s5;
	s11 =	sadd.s32 $0x2FE00, s10;
	s28 =	sshll.u32 s3, $0x1  }
0x9: {  	s13 =	smul.u32 $0x54000, s3;
	s5 =	sadd.s32 $0x43E00, s10;
	s30 =	sshll.u32 s3, $0x6  }
0xa: {  	s17 =	smul.u32 $0x2A00, s3;
	_ =	strace $0x8000004A;
	s12 =	sor.u32 s8, s28  }
0xb: {  	s6 =	ssub.s32 $0x2, s8;
	p0 =	seq.s32 s8, $0x1;
	s15 =	smul.u32 $0x500, s12  }
0xc: {  	s7 =	sshrl.u32 s6, $0x1;
	s29 =	sshrl.u32 s13, $0x2;
	s12 =	smul.u32 $0x2800, s12  }
0xd: {  	s16 =	simm.s32 @!p0 $0xC4E00;
	s14 =	ssub.s32 s6, s7;
	s13 =	sadd.s32 s29, s1  }
0xe: {  	s6 =	sor.u32 $0x1C03, s30;
	s31 =	sadd.s32 s16, s10;
	s16 =	simm.s32 $0x80  }
0xf: {  	s7 =	sadd.s32 s9, s15;
	s12 =	sshrl.u32 s12, $0x3;
	s8 =	sadd.s32 s11, s15  }
0x10: {  	s13 =	sshrl.u32 s13, $0x3;
	s15 =	simm.s32 $0x1400;
	s12 =	sadd.s32 $0x280, s12  }
0x11: {  	s9 =	sadd.s32 s9, s12;
	s10 =	sadd.s32 s11, s12;
	s11 =	smax.u32 s14, $0x1  }
0x12: {  	s12 =	sadd.s32 s31, s17;
	s14 =	simm.s32 $0x3;
	s17 =	simm.s32 $0x2800  }
.LBB2_1:
0x13: {  	[spmem:s13], [sflag:s6] =	dma.local [hbm:s5], $0x2A00  }
0x14: {  	_ =	swait.ge [sflag:s14], $0x2A00  }
0x15: {  	[sflag:s14] =	ssyncset.done $0x0  }
0x16: {  	[sflag:s14] =	ssyncadd.s32 $0xFFFFD600  }
0x17: {  	[bflag:$0x0] =	sbarrier.arrive $0xFFFF  }
0x18: {  	[tilespmem:s2], [sflag:$0x3] =	stream.linear.gather [hbm4b:s7+s2], $0x1400, $0x38;
	[tilespmem:$0x1F800] =	vst v63  }
0x19: {  	_ =	swait.ge [sflag:s14], $0x1400  }
0x1a: {  	[sflag:s14] =	ssyncset.done $0x0  }
0x1b: {  	[sflag:s14] =	ssyncadd.s32 $0xFFFFEC00  }
0x1c: {  	[tilespmem:s15], [sflag:$0x3] =	stream.linear.gather [hbm4b:s8+s2], $0x1400, $0x38;
	[tilespmem:$0x1F800] =	vst v63  }
0x1d: {  	_ =	swait.ge [sflag:s14], $0x1400  }
0x1e: {  	[sflag:s14] =	ssyncset.done $0x0  }
0x1f: {  	[sflag:s14] =	ssyncadd.s32 $0xFFFFEC00  }
0x20: {  	[tilespmem:s17], [sflag:$0x1] =	stream.indirect.gather [hbm4b:s4+s16], $0x80, s2, s16, $0xb8;
	[tilespmem:$0x1F800] =	vst v63  }
0x21: {  	s25 =	simm.s32 $0x80  }
0x22: {  	[tilespmem:s18], [sflag:$0x2] =	stream.indirect.gather [hbm4b:s4+s16], $0x80, s25, s16, $0xb8;
	[tilespmem:$0x1F800] =	vst v63  }
0x23: {  	_ =	swait.ge [sflag:s19], $0x4000  }
0x24: {  	[sflag:s19] =	ssyncset.done $0x0  }
0x25: {  	s29 =	simm.s32 $0x1400;
	[sflag:s19] =	ssyncadd.s32 $0xFFFFC000  }
0x26: {  	[spmem:s1] =	stream.indirect.scatter.add.f32 [tilespmem:s17], [sflag:$0x3], $0x80, s29, s16, $0xb8;
	[tilespmem:$0x1F800] =	vst v63  }
0x27: {  	_ =	swait.ge [sflag:s14], $0x4000  }
0x28: {  	[sflag:s14] =	ssyncset.done $0x0  }
0x29: {  	s30 =	simm.s32 $0x100;
	[sflag:s14] =	ssyncadd.s32 $0xFFFFC000  }
0x2a: {  	[tilespmem:s17], [sflag:$0x1] =	stream.indirect.gather [hbm4b:s4+s16], $0x80, s30, s16, $0xb8;
	[tilespmem:$0x1F800] =	vst v63  }
0x2b: {  	_ =	swait.ge [sflag:s20], $0x4000  }
0x2c: {  	[sflag:s20] =	ssyncset.done $0x0  }
0x2d: {  	s31 =	simm.s32 $0x1480;
	[sflag:s20] =	ssyncadd.s32 $0xFFFFC000  }
0x2e: {  	[spmem:s1] =	stream.indirect.scatter.add.f32 [tilespmem:s18], [sflag:$0x3], $0x80, s31, s16, $0xb8;
	[tilespmem:$0x1F800] =	vst v63  }
0x2f: {  	_ =	swait.ge [sflag:s14], $0x4000  }
0x30: {  	s26 =	simm.s32 $0x800;
	s25 =	simm.s32 $0x100;
	[sflag:s14] =	ssyncset.done $0x0  }
.LBB2_2:
0x31: {  	s28 =	sadd.s32 $0x80, s25  }
0x32: {  	[sflag:s14] =	ssyncadd.s32 $0xFFFFC000;
	s29 =	smov.u32 s26;
	s30 =	sadd.s32 $0x400, s26  }
0x33: {  	[tilespmem:s18], [sflag:$0x2] =	stream.indirect.gather [hbm4b:s4+s16], $0x80, s28, s16, $0xb8;
	[tilespmem:$0x1F800] =	vst v63  }
0x34: {  	p0 =	sne.s32 s26, $0x4800;
	_ =	swait.ge [sflag:s19], $0x4000  }
0x35: {  	[sflag:s19] =	ssyncset.done $0x0  }
0x36: {  	s26 =	sadd.s32 $0x1400, s25;
	[sflag:s19] =	ssyncadd.s32 $0xFFFFC000  }
0x37: {  	[spmem:s1] =	stream.indirect.scatter.add.f32 [tilespmem:s17], [sflag:$0x3], $0x80, s26, s16, $0xb8;
	[tilespmem:$0x1F800] =	vst v63  }
0x38: {  	_ =	swait.ge [sflag:s14], $0x4000  }
0x39: {  	[sflag:s14] =	ssyncset.done $0x0  }
0x3a: {  	s26 =	sadd.s32 $0x100, s25;
	[sflag:s14] =	ssyncadd.s32 $0xFFFFC000  }
0x3b: {  	[tilespmem:s17], [sflag:$0x1] =	stream.indirect.gather [hbm4b:s4+s16], $0x80, s26, s16, $0xb8;
	[tilespmem:$0x1F800] =	vst v63  }
0x3c: {  	_ =	swait.ge [sflag:s20], $0x4000  }
.Ltmp0:
0x3d: {  	[sflag:s20] =	ssyncset.done $0x0;
	(pc) =	sbr.rel @p0 .LBB2_2-.Ltmp0, $4  }
0x3e: {  	s25 =	sadd.s32 $0x1480, s25;
	[sflag:s20] =	ssyncadd.s32 $0xFFFFC000  }
0x3f: {  	[spmem:s1] =	stream.indirect.scatter.add.f32 [tilespmem:s18], [sflag:$0x3], $0x80, s25, s16, $0xb8;
	[tilespmem:$0x1F800] =	vst v63  }
0x40: {  	_ =	swait.ge [sflag:s14], $0x4000  }
0x41: {  	s26 =	smov.u32 s30;
	s25 =	sshra.s32 s29, $0x2;
	[sflag:s14] =	ssyncset.done $0x0  }
0x42: {  	s26 =	sadd.s32 $0x80, s25;
	[sflag:s14] =	ssyncadd.s32 $0xFFFFC000  }
0x43: {  	[tilespmem:s18], [sflag:$0x2] =	stream.indirect.gather [hbm4b:s4+s16], $0x80, s26, s16, $0xb8;
	[tilespmem:$0x1F800] =	vst v63  }
0x44: {  	_ =	swait.ge [sflag:s19], $0x4000  }
0x45: {  	[sflag:s19] =	ssyncset.done $0x0  }
0x46: {  	s29 =	sadd.s32 $0x1400, s25;
	[sflag:s19] =	ssyncadd.s32 $0xFFFFC000  }
0x47: {  	[spmem:s1] =	stream.indirect.scatter.add.f32 [tilespmem:s17], [sflag:$0x3], $0x80, s29, s16, $0xb8;
	[tilespmem:$0x1F800] =	vst v63  }
0x48: {  	_ =	swait.ge [sflag:s14], $0x4000  }
0x49: {  	[sflag:s14] =	ssyncset.done $0x0  }
0x4a: {  	s30 =	sadd.s32 $0x100, s25;
	[sflag:s14] =	ssyncadd.s32 $0xFFFFC000  }
0x4b: {  	[tilespmem:s17], [sflag:$0x1] =	stream.indirect.gather [hbm4b:s4+s16], $0x80, s30, s16, $0xb8;
	[tilespmem:$0x1F800] =	vst v63  }
0x4c: {  	_ =	swait.ge [sflag:s20], $0x4000  }
0x4d: {  	[sflag:s20] =	ssyncset.done $0x0  }
0x4e: {  	s31 =	sadd.s32 $0x1480, s25;
	[sflag:s20] =	ssyncadd.s32 $0xFFFFC000  }
0x4f: {  	[spmem:s1] =	stream.indirect.scatter.add.f32 [tilespmem:s18], [sflag:$0x3], $0x80, s31, s16, $0xb8;
	[tilespmem:$0x1F800] =	vst v63  }
0x50: {  	_ =	swait.ge [sflag:s14], $0x4000  }
0x51: {  	[sflag:s14] =	ssyncset.done $0x0  }
0x52: {  	[sflag:s14] =	ssyncadd.s32 $0xFFFFC000  }
0x53: {  	[tilespmem:s18], [sflag:$0x2] =	stream.indirect.gather [hbm4b:s4+s16], $0x80, s21, s16, $0xb8;
	[tilespmem:$0x1F800] =	vst v63  }
0x54: {  	_ =	swait.ge [sflag:s19], $0x4000  }
0x55: {  	[sflag:s19] =	ssyncset.done $0x0  }
0x56: {  	[sflag:s19] =	ssyncadd.s32 $0xFFFFC000  }
0x57: {  	[spmem:s1] =	stream.indirect.scatter.add.f32 [tilespmem:s17], [sflag:$0x3], $0x80, s22, s16, $0xb8;
	[tilespmem:$0x1F800] =	vst v63  }
0x58: {  	_ =	swait.ge [sflag:s14], $0x4000  }
0x59: {  	[sflag:s14] =	ssyncset.done $0x0  }
0x5a: {  	[sflag:s14] =	ssyncadd.s32 $0xFFFFC000  }
0x5b: {  	_ =	swait.ge [sflag:s20], $0x4000  }
0x5c: {  	[sflag:s20] =	ssyncset.done $0x0  }
0x5d: {  	[sflag:s20] =	ssyncadd.s32 $0xFFFFC000  }
0x5e: {  	[spmem:s1] =	stream.indirect.scatter.add.f32 [tilespmem:s18], [sflag:$0x3], $0x80, s23, s16, $0xb8;
	[tilespmem:$0x1F800] =	vst v63  }
0x5f: {  	_ =	swait.ge [sflag:s14], $0x4000  }
0x60: {  	[sflag:s14] =	ssyncset.done $0x0  }
0x61: {  	s26 =	simm.s32 $0x0;
	[sflag:s14] =	ssyncadd.s32 $0xFFFFC000  }
0x62: {  	[tilespmem:s26], [sflag:$0x3] =	stream.linear.gather [hbm4b:s9+s26], $0x1400, $0x38;
	[tilespmem:$0x1F800] =	vst v63  }
0x63: {  	_ =	swait.ge [sflag:s14], $0x1400  }
0x64: {  	[sflag:s14] =	ssyncset.done $0x0  }
0x65: {  	[sflag:s14] =	ssyncadd.s32 $0xFFFFEC00  }
0x66: {  	[tilespmem:s15], [sflag:$0x3] =	stream.linear.gather [hbm4b:s10+s26], $0x1400, $0x38;
	[tilespmem:$0x1F800] =	vst v63  }
0x67: {  	_ =	swait.ge [sflag:s14], $0x1400  }
0x68: {  	[sflag:s14] =	ssyncset.done $0x0  }
0x69: {  	[sflag:s14] =	ssyncadd.s32 $0xFFFFEC00  }
0x6a: {  	[tilespmem:s17], [sflag:$0x1] =	stream.indirect.gather [hbm4b:s4+s16], $0x80, s26, s16, $0xb8;
	[tilespmem:$0x1F800] =	vst v63  }
0x6b: {  	s28 =	simm.s32 $0x80  }
0x6c: {  	[tilespmem:s18], [sflag:$0x2] =	stream.indirect.gather [hbm4b:s4+s16], $0x80, s28, s16, $0xb8;
	[tilespmem:$0x1F800] =	vst v63  }
0x6d: {  	_ =	swait.ge [sflag:s19], $0x4000  }
0x6e: {  	[sflag:s19] =	ssyncset.done $0x0  }
0x6f: {  	s29 =	simm.s32 $0x1400;
	[sflag:s19] =	ssyncadd.s32 $0xFFFFC000  }
0x70: {  	[spmem:s1] =	stream.indirect.scatter.add.f32 [tilespmem:s17], [sflag:$0x3], $0x80, s29, s16, $0xb8;
	[tilespmem:$0x1F800] =	vst v63  }
0x71: {  	_ =	swait.ge [sflag:s14], $0x4000  }
0x72: {  	[sflag:s14] =	ssyncset.done $0x0  }
0x73: {  	s30 =	simm.s32 $0x100;
	[sflag:s14] =	ssyncadd.s32 $0xFFFFC000  }
0x74: {  	[tilespmem:s17], [sflag:$0x1] =	stream.indirect.gather [hbm4b:s4+s16], $0x80, s30, s16, $0xb8;
	[tilespmem:$0x1F800] =	vst v63  }
0x75: {  	_ =	swait.ge [sflag:s20], $0x4000  }
0x76: {  	[sflag:s20] =	ssyncset.done $0x0  }
0x77: {  	s31 =	simm.s32 $0x1480;
	[sflag:s20] =	ssyncadd.s32 $0xFFFFC000  }
0x78: {  	[spmem:s1] =	stream.indirect.scatter.add.f32 [tilespmem:s18], [sflag:$0x3], $0x80, s31, s16, $0xb8;
	[tilespmem:$0x1F800] =	vst v63  }
0x79: {  	_ =	swait.ge [sflag:s14], $0x4000  }
0x7a: {  	s25 =	simm.s32 $0x100;
	s26 =	simm.s32 $0x800;
	[sflag:s14] =	ssyncset.done $0x0  }
.LBB2_4:
0x7b: {  	s28 =	sadd.s32 $0x80, s25  }
0x7c: {  	[sflag:s14] =	ssyncadd.s32 $0xFFFFC000;
	s29 =	smov.u32 s26;
	s30 =	sadd.s32 $0x400, s26  }
0x7d: {  	[tilespmem:s18], [sflag:$0x2] =	stream.indirect.gather [hbm4b:s4+s16], $0x80, s28, s16, $0xb8;
	[tilespmem:$0x1F800] =	vst v63  }
0x7e: {  	p0 =	sne.s32 s26, $0x4800;
	_ =	swait.ge [sflag:s19], $0x4000  }
0x7f: {  	[sflag:s19] =	ssyncset.done $0x0  }
0x80: {  	s26 =	sadd.s32 $0x1400, s25;
	[sflag:s19] =	ssyncadd.s32 $0xFFFFC000  }
0x81: {  	[spmem:s1] =	stream.indirect.scatter.add.f32 [tilespmem:s17], [sflag:$0x3], $0x80, s26, s16, $0xb8;
	[tilespmem:$0x1F800] =	vst v63  }
0x82: {  	_ =	swait.ge [sflag:s14], $0x4000  }
0x83: {  	[sflag:s14] =	ssyncset.done $0x0  }
0x84: {  	s26 =	sadd.s32 $0x100, s25;
	[sflag:s14] =	ssyncadd.s32 $0xFFFFC000  }
0x85: {  	[tilespmem:s17], [sflag:$0x1] =	stream.indirect.gather [hbm4b:s4+s16], $0x80, s26, s16, $0xb8;
	[tilespmem:$0x1F800] =	vst v63  }
0x86: {  	_ =	swait.ge [sflag:s20], $0x4000  }
.Ltmp1:
0x87: {  	[sflag:s20] =	ssyncset.done $0x0;
	(pc) =	sbr.rel @p0 .LBB2_4-.Ltmp1, $4  }
0x88: {  	s25 =	sadd.s32 $0x1480, s25;
	[sflag:s20] =	ssyncadd.s32 $0xFFFFC000  }
0x89: {  	[spmem:s1] =	stream.indirect.scatter.add.f32 [tilespmem:s18], [sflag:$0x3], $0x80, s25, s16, $0xb8;
	[tilespmem:$0x1F800] =	vst v63  }
0x8a: {  	_ =	swait.ge [sflag:s14], $0x4000  }
0x8b: {  	s26 =	smov.u32 s30;
	s25 =	sshra.s32 s29, $0x2;
	[sflag:s14] =	ssyncset.done $0x0  }
0x8c: {  	s26 =	sadd.s32 $0x80, s25;
	[sflag:s14] =	ssyncadd.s32 $0xFFFFC000  }
0x8d: {  	[tilespmem:s18], [sflag:$0x2] =	stream.indirect.gather [hbm4b:s4+s16], $0x80, s26, s16, $0xb8;
	[tilespmem:$0x1F800] =	vst v63  }
0x8e: {  	_ =	swait.ge [sflag:s19], $0x4000  }
0x8f: {  	[sflag:s19] =	ssyncset.done $0x0  }
0x90: {  	s29 =	sadd.s32 $0x1400, s25;
	[sflag:s19] =	ssyncadd.s32 $0xFFFFC000  }
0x91: {  	[spmem:s1] =	stream.indirect.scatter.add.f32 [tilespmem:s17], [sflag:$0x3], $0x80, s29, s16, $0xb8;
	[tilespmem:$0x1F800] =	vst v63  }
0x92: {  	_ =	swait.ge [sflag:s14], $0x4000  }
0x93: {  	[sflag:s14] =	ssyncset.done $0x0  }
0x94: {  	s30 =	sadd.s32 $0x100, s25;
	[sflag:s14] =	ssyncadd.s32 $0xFFFFC000  }
0x95: {  	[tilespmem:s17], [sflag:$0x1] =	stream.indirect.gather [hbm4b:s4+s16], $0x80, s30, s16, $0xb8;
	[tilespmem:$0x1F800] =	vst v63  }
0x96: {  	_ =	swait.ge [sflag:s20], $0x4000  }
0x97: {  	[sflag:s20] =	ssyncset.done $0x0  }
0x98: {  	s31 =	sadd.s32 $0x1480, s25;
	[sflag:s20] =	ssyncadd.s32 $0xFFFFC000  }
0x99: {  	[spmem:s1] =	stream.indirect.scatter.add.f32 [tilespmem:s18], [sflag:$0x3], $0x80, s31, s16, $0xb8;
	[tilespmem:$0x1F800] =	vst v63  }
0x9a: {  	_ =	swait.ge [sflag:s14], $0x4000  }
0x9b: {  	[sflag:s14] =	ssyncset.done $0x0  }
0x9c: {  	[sflag:s14] =	ssyncadd.s32 $0xFFFFC000  }
0x9d: {  	[tilespmem:s18], [sflag:$0x2] =	stream.indirect.gather [hbm4b:s4+s16], $0x80, s21, s16, $0xb8;
	[tilespmem:$0x1F800] =	vst v63  }
0x9e: {  	_ =	swait.ge [sflag:s19], $0x4000  }
0x9f: {  	[sflag:s19] =	ssyncset.done $0x0  }
0xa0: {  	[sflag:s19] =	ssyncadd.s32 $0xFFFFC000  }
0xa1: {  	[spmem:s1] =	stream.indirect.scatter.add.f32 [tilespmem:s17], [sflag:$0x3], $0x80, s22, s16, $0xb8;
	[tilespmem:$0x1F800] =	vst v63  }
0xa2: {  	_ =	swait.ge [sflag:s14], $0x4000  }
0xa3: {  	[sflag:s14] =	ssyncset.done $0x0  }
0xa4: {  	[sflag:s14] =	ssyncadd.s32 $0xFFFFC000  }
0xa5: {  	_ =	swait.ge [sflag:s20], $0x4000  }
0xa6: {  	[sflag:s20] =	ssyncset.done $0x0  }
0xa7: {  	[sflag:s20] =	ssyncadd.s32 $0xFFFFC000  }
0xa8: {  	[spmem:s1] =	stream.indirect.scatter.add.f32 [tilespmem:s18], [sflag:$0x3], $0x80, s23, s16, $0xb8;
	[tilespmem:$0x1F800] =	vst v63  }
0xa9: {  	_ =	swait.ge [sflag:s14], $0x4000  }
0xaa: {  	s24 =	sadd.s32 $0x1, s24;
	[sflag:s14] =	ssyncset.done $0x0  }
0xab: {  	p0 =	sne.s32 s24, s11;
	[sflag:s14] =	ssyncadd.s32 $0xFFFFC000  }
.Ltmp2:
0xac: {  	[bflag:$0x0] =	sbarrier.arrive $0xFFFF;
	(pc) =	sbr.rel @p0 .LBB2_1-.Ltmp2, $4  }
0xad: {  	[hbm:s12], [sflag:s6] =	dma.local [spmem:s13], $0x2A00  }
0xae: {  	_ =	swait.ge [sflag:s14], $0x2A00  }
0xaf: {  	[sflag:s14] =	ssyncset.done $0x0  }
0xb0: {  	[sflag:s14] =	ssyncadd.s32 $0xFFFFD600  }
0xb1: {  	_ =	sfence.sel $0x180000  }
0xb2: {  	[bflag:$0x0] =	sbarrier.arrive $0xFFFF  }
0xb3: {  	p0 =	sne.s32 s3, $0x0;
	_ =	strace $0x9000004A  }
0xb4: {  	s0 =	sadd.s32 @!p0 $0x100000, s0;
	[bflag:$0x2] =	sbarrier.arrive $0xFFFF  }
0xb5: {  	[sflag:s0] =	ssyncadd.tile.s32 @!p0 $0x1;
	_ =	shalt  }
.Lfunc_end2:
_tile_overlayer_lowered:
.L_overlay_start_2:
0xb6: {  	(tag) =	ssettag $0x2  }
0xb7: {  	s0 =	rddreg [dreg:$0x0];
	s2 =	stileid.u32  }
0xb8: {  	s1 =	rddreg [dreg:$0x1];
	p0 =	sne.s32 s2, $0x0  }
0xb9: {  	s3 =	rddreg [dreg:$0x2];
	[bflag:$0x3] =	sbarrier.arrive $0xFFFF;
	s2 =	simm.s32 @!p0 $0x1C03  }
0xba: {  	[timem:s3], [sflag:s2] =	dma.local @!p0 [hbm:s0], s1  }
0xbb: {  	s0 =	simm.s32 @!p0 $0x3  }
0xbc: {  	_ =	swait.ge @!p0 [sflag:s0], s1  }
0xbd: {  	s1 =	ssub.s32 @!p0 $0x0, s1;
	[sflag:s0] =	ssyncset.done @!p0 $0x0  }
0xbe: {  	[sflag:s0] =	ssyncadd.s32 @!p0 s1  }
0xbf: {  	[bflag:$0x3] =	sbarrier.arrive $0xFFFF  }
0xc0: {  	_ =	shalt  }

</sc_bundles>
